<compile_context>
chip_gen: v7x
topology: tpu7x:2x2x1
jax: 0.10.2.dev20260603
libtpu: 0.0.44.dev20260713+nightly
codegen_flags: <defaults>
</compile_context>

<pallas_src>
import functools

import jax
import jax.numpy as jnp
from jax import lax
from jax.experimental import pallas as pl
from jax.experimental.pallas import tpu as pltpu
from jax.experimental.pallas import tpu_sc as plsc

NUM_K = 8192
DIM = 32
PIX = 256
NPIX = 2 * PIX
BETA = 0.25

NCAND = 8
CHUNK = 64
NCHUNKS = NUM_K // CHUNK
NROWS = NPIX * NCAND

NW = 16
ROWS_W = NROWS // NW
IMAX = 2**31 - 1


def _select_kernel(zs_ref, et_ref, cand_ref):
    et = et_ref[...]
    en2 = jnp.sum(et * et, axis=0, keepdims=True)
    kiota = jax.lax.broadcasted_iota(jnp.int32, (PIX, NUM_K), 1)
    for b in range(2):
        zsb = zs_ref[b]
        s = en2 - 2.0 * jax.lax.dot_general(
            zsb, et, (((1,), (0,)), ((), ())),
            preferred_element_type=jnp.float32,
        )
        bi = jax.lax.bitcast_convert_type(s, jnp.int32)
        v = bi ^ jnp.where(bi < 0, jnp.int32(0x7FFFFFFF), jnp.int32(0))
        key = (v & jnp.int32(-8192)) | kiota
        m = key
        sec = None
        width = NUM_K // 2
        while width >= 128:
            am, bm = m[:, :width], m[:, width:2 * width]
            new_m = jnp.minimum(am, bm)
            loser = jnp.maximum(am, bm)
            if sec is None:
                sec = loser
            else:
                a_s, b_s = sec[:, :width], sec[:, width:2 * width]
                sec = jnp.minimum(loser, jnp.minimum(a_s, b_s))
            m = new_m
            width //= 2
        merged = jnp.concatenate([m, sec], axis=1)
        picks = []
        cur = merged
        for _ in range(NCAND):
            g = jnp.min(cur, axis=1, keepdims=True)
            picks.append(g)
            cur = jnp.where(cur == g, IMAX, cur)
        keys12 = jnp.concatenate(picks, axis=1)
        cand_ref[b] = keys12 & jnp.int32(8191)


@functools.cache
def _make_gather_kernel():
    mesh = plsc.VectorSubcoreMesh(
        core_axis_name="c", subcore_axis_name="s", num_cores=1
    )

    @functools.partial(
        pl.kernel,
        mesh=mesh,
        out_type=jax.ShapeDtypeStruct((NROWS, 128), jnp.float32),
        scratch_types=[
            pltpu.VMEM((ROWS_W,), jnp.int32),
            pltpu.VMEM((ROWS_W, 128), jnp.float32),
            pltpu.SemaphoreType.DMA,
        ],
    )
    def _gather_kernel(emb_hbm, idx_hbm, rows_hbm, idx_v, rows_v, sem):
        w = lax.axis_index("s")
        base = w * ROWS_W
        pltpu.sync_copy(idx_hbm.at[pl.ds(base, ROWS_W)], idx_v)
        pltpu.async_copy(emb_hbm.at[idx_v], rows_v, sem).wait()
        pltpu.sync_copy(rows_v, rows_hbm.at[pl.ds(base, ROWS_W)])

    return _gather_kernel


def _rescore_kernel(rt_ref, zst_ref, znt_ref, candl_ref, zqt_ref, idx_ref, loss_ref):
    loss_acc = jnp.zeros((), dtype=jnp.float32)
    for b in range(2):
        rt = rt_ref[b]
        zst = zst_ref[b]
        znt = znt_ref[b]
        candl = candl_ref[b]
        acc = None
        for c in range(DIM):
            zrow = zst[c:c + 1, :]
            zfull = jnp.concatenate([zrow] * NCAND, axis=1)
            d = rt[c:c + 1, :] - zfull
            sq = d * d
            acc = sq if acc is None else acc + sq
        dcur, kcur = acc, candl
        width = NCAND * PIX // 2
        while width >= PIX:
            ad, bd_ = dcur[:, :width], dcur[:, width:2 * width]
            ak, bk_ = kcur[:, :width], kcur[:, width:2 * width]
            better = (bd_ < ad) | ((bd_ == ad) & (bk_ < ak))
            dcur = jnp.where(better, bd_, ad)
            kcur = jnp.where(better, bk_, ak)
            width //= 2
        idx_ref[b] = kcur
        kwin_full = jnp.concatenate([kcur] * NCAND, axis=1)
        wmask = (candl == kwin_full).astype(jnp.float32)
        rows_c = []
        for c in range(DIM):
            sel = rt[c:c + 1, :] * wmask
            w2 = NCAND * PIX // 2
            while w2 >= PIX:
                sel = sel[:, :w2] + sel[:, w2:2 * w2]
                w2 //= 2
            rows_c.append(sel)
        zq = jnp.concatenate(rows_c, axis=0)
        dn = zq - znt
        st = znt + dn
        zqt_ref[b] = st
        loss_acc = loss_acc + jnp.sum(dn * dn)
    scale = (1.0 + BETA) / (NPIX * DIM)
    loss_ref[...] = (loss_acc * scale).reshape(1, 1)


def kernel(z, embedding):
    b, c, h, w = z.shape
    zp = jnp.transpose(z, (0, 2, 3, 1))
    flat = zp.reshape(b, h * w * c)
    zs = flat.reshape(b, c, h * w).transpose(0, 2, 1)
    zn = zp.reshape(b, h * w, c)
    et = embedding.T

    cand = pl.pallas_call(
        _select_kernel,
        out_shape=jax.ShapeDtypeStruct((b, h * w, NCAND), jnp.int32),
    )(zs, et)

    emb_pad = jnp.pad(embedding, ((0, 0), (0, 128 - DIM)))
    rows = _make_gather_kernel()(emb_pad, cand.reshape(NROWS))

    rt = rows.reshape(b, h * w, NCAND, 128)[..., :DIM]
    rt = rt.transpose(0, 3, 2, 1).reshape(b, c, NCAND * h * w)
    candl = cand.transpose(0, 2, 1).reshape(b, 1, NCAND * h * w)
    zst = zs.transpose(0, 2, 1)
    znt = zn.transpose(0, 2, 1)

    zqt, idx, loss = pl.pallas_call(
        _rescore_kernel,
        out_shape=(
            jax.ShapeDtypeStruct((b, c, h * w), jnp.float32),
            jax.ShapeDtypeStruct((b, 1, h * w), jnp.int32),
            jax.ShapeDtypeStruct((1, 1), jnp.float32),
        ),
    )(rt, zst, znt, candl)

    z_q_out = zqt.reshape(b, c, h, w)
    min_encoding_indices = idx.reshape(b, h, w)
    return (z_q_out, min_encoding_indices, loss.reshape(()))

# --- scband reference (transcript-rebuilt; emitter-appended) ---
"""Pipeline reference for scband-codebook-76897094468462 (READ-ONLY COPY).

The authoritative reference and input builder live on the scoring server;
editing this copy changes nothing except your own understanding.
"""

import jax, jax.numpy as jnp
import numpy as np

NUM_CODEBOOK_VECTORS = 8192
LATENT_DIM = 32
BETA = 0.25


def setup_inputs(seed: int = 0) -> dict:
    key = jax.random.key(seed)
    k1, k2 = jax.random.split(key)
    z = jax.random.normal(k1, (2, LATENT_DIM, 16, 16), dtype=jnp.float32)
    embedding = jax.random.uniform(
        k2,
        (NUM_CODEBOOK_VECTORS, LATENT_DIM),
        dtype=jnp.float32,
        minval=-1.0 / NUM_CODEBOOK_VECTORS,
        maxval=1.0 / NUM_CODEBOOK_VECTORS,
    )
    return {"z": z, "embedding": embedding}


def reference(z, embedding):
    # z: [b, c, h, w] -> permute to [b, h, w, c] (contiguous)
    zp = jnp.transpose(z, (0, 2, 3, 1))
    b, h, w, c = zp.shape
    # embedding.weight.data -> no gradient through distance path
    emb = jax.lax.stop_gradient(embedding)
    k = emb.shape[0]
    emb_b = emb.reshape(1, k, c, 1, 1)
    # torch .contiguous().view(b,1,c,h,w) == reshape of the permuted array
    z_b = zp.reshape(b, 1, c, h, w)
    distance = jnp.sum((emb_b - z_b) ** 2, axis=2)  # [b, k, h, w]
    min_encoding_indices = jnp.argmin(distance, axis=1)  # [b, h, w]
    z_q = jnp.take(embedding, min_encoding_indices, axis=0).reshape(zp.shape)  # [b,h,w,c]
    loss = jnp.mean((jax.lax.stop_gradient(z_q) - zp) ** 2) + BETA * jnp.mean(
        (z_q - jax.lax.stop_gradient(zp)) ** 2
    )
    # straight-through estimator
    z_q_st = zp + jax.lax.stop_gradient(z_q - zp)
    z_q_out = jnp.transpose(z_q_st, (0, 3, 1, 2))
    return (z_q_out, min_encoding_indices, loss)

if __name__ == "__main__":
    import jax
    _d = setup_inputs()
    print(jax.jit(kernel)(*tuple(_d.values())))

</pallas_src>

<mosaic_0001>
#map = affine_map<(d0, d1) -> (0, 0)>
#map1 = affine_map<(d0, d1) -> (0)>
module attributes {stable_mosaic.version = 14 : i64} {
  func.func @_gather_kernel(%arg0: i32, %arg1: i32, %arg2: memref<8192x128xf32, #tpu.memory_space<hbm>>, %arg3: memref<4096xi32, #tpu.memory_space<hbm>>, %arg4: memref<4096x128xf32, #tpu.memory_space<hbm>>, %arg5: memref<256xi32, #tpu.memory_space<vmem>>, %arg6: memref<256x128xf32, #tpu.memory_space<vmem>>, %arg7: memref<!tpu.dma_semaphore, #tpu.memory_space<semaphore_mem>>) attributes {dimension_semantics = [#tpu.dimension_semantics<core_parallel>, #tpu.dimension_semantics<subcore_parallel>], iteration_bounds = array<i64: 1, 16>, scalar_prefetch = 0 : i64, scratch_operands = 3 : i64, tpu.core_type = #tpu.core_type<sc_vector_subcore>, window_params = [{transform_indices = #map}, {transform_indices = #map1}, {transform_indices = #map}]} {
    %mul3A = arith.constant 256 : i32
    %mul3A_0 = arith.muli %arg1, %mul3A : i32
    "tpu.region"() ({
      %run_scoped3A = tpu.sem_alloc : memref<!tpu.dma_semaphore, #tpu.memory_space<semaphore_mem>>
      %dma_start3A_5 = tpu.memref_slice %arg3[%mul3A_0] : memref<4096xi32, #tpu.memory_space<hbm>> -> memref<256xi32, #tpu.memory_space<hbm>>
      %dma_start3A_6 = tpu.memref_slice %arg3[%mul3A_0] : memref<4096xi32, #tpu.memory_space<hbm>> -> memref<256xi32, #tpu.memory_space<hbm>>
      tpu.enqueue_dma source(%dma_start3A_6 : memref<256xi32, #tpu.memory_space<hbm>>) target(%arg5 : memref<256xi32, #tpu.memory_space<vmem>>) target_semaphore(%run_scoped3A : memref<!tpu.dma_semaphore, #tpu.memory_space<semaphore_mem>>)
      %dma_wait3A_7 = tpu.memref_slice %arg3[%mul3A_0] : memref<4096xi32, #tpu.memory_space<hbm>> -> memref<256xi32, #tpu.memory_space<hbm>>
      %dma_wait3A_8 = tpu.memref_slice %arg3[%mul3A_0] : memref<4096xi32, #tpu.memory_space<hbm>> -> memref<256xi32, #tpu.memory_space<hbm>>
      tpu.wait_dma2 semaphore(%run_scoped3A : memref<!tpu.dma_semaphore, #tpu.memory_space<semaphore_mem>>) src(%dma_wait3A_8 : memref<256xi32, #tpu.memory_space<hbm>>) dst(%arg5 : memref<256xi32, #tpu.memory_space<vmem>>)
      tpu.yield
    }) : () -> ()
    %dma_start3A = arith.constant 0 : i32
    %dma_start3A_1 = arith.constant 0 : i32
    %dma_start3A_2 = tpu.memref_slice %arg2[%dma_start3A, %dma_start3A_1] : memref<8192x128xf32, #tpu.memory_space<hbm>> -> memref<8192x128xf32, #tpu.memory_space<hbm>>
    tpu.enqueue_indirect_dma source(%dma_start3A_2 : memref<8192x128xf32, #tpu.memory_space<hbm>>) target(%arg6 : memref<256x128xf32, #tpu.memory_space<vmem>>) offsets(%arg5 : memref<256xi32, #tpu.memory_space<vmem>>) semaphore(%arg7 : memref<!tpu.dma_semaphore, #tpu.memory_space<semaphore_mem>>)
    %dma_wait3A = arith.constant 0 : i32
    %dma_wait3A_3 = arith.constant 0 : i32
    %dma_wait3A_4 = tpu.memref_slice %arg2[%dma_wait3A, %dma_wait3A_3] : memref<8192x128xf32, #tpu.memory_space<hbm>> -> memref<8192x128xf32, #tpu.memory_space<hbm>>
    tpu.wait_indirect_dma semaphore(%arg7 : memref<!tpu.dma_semaphore, #tpu.memory_space<semaphore_mem>>) src(%dma_wait3A_4 : memref<8192x128xf32, #tpu.memory_space<hbm>>) dst(%arg6 : memref<256x128xf32, #tpu.memory_space<vmem>>)
    "tpu.region"() ({
      %run_scoped3A = tpu.sem_alloc : memref<!tpu.dma_semaphore, #tpu.memory_space<semaphore_mem>>
      %dma_start3A_5 = arith.constant 0 : i32
      %dma_start3A_6 = tpu.memref_slice %arg4[%mul3A_0, %dma_start3A_5] : memref<4096x128xf32, #tpu.memory_space<hbm>> -> memref<256x128xf32, #tpu.memory_space<hbm>>
      %dma_start3A_7 = arith.constant 0 : i32
      %dma_start3A_8 = tpu.memref_slice %arg4[%mul3A_0, %dma_start3A_7] : memref<4096x128xf32, #tpu.memory_space<hbm>> -> memref<256x128xf32, #tpu.memory_space<hbm>>
      tpu.enqueue_dma source(%arg6 : memref<256x128xf32, #tpu.memory_space<vmem>>) target(%dma_start3A_8 : memref<256x128xf32, #tpu.memory_space<hbm>>) target_semaphore(%run_scoped3A : memref<!tpu.dma_semaphore, #tpu.memory_space<semaphore_mem>>)
      %dma_wait3A_9 = arith.constant 0 : i32
      %dma_wait3A_10 = tpu.memref_slice %arg4[%mul3A_0, %dma_wait3A_9] : memref<4096x128xf32, #tpu.memory_space<hbm>> -> memref<256x128xf32, #tpu.memory_space<hbm>>
      %dma_wait3A_11 = arith.constant 0 : i32
      %dma_wait3A_12 = tpu.memref_slice %arg4[%mul3A_0, %dma_wait3A_11] : memref<4096x128xf32, #tpu.memory_space<hbm>> -> memref<256x128xf32, #tpu.memory_space<hbm>>
      tpu.wait_dma2 semaphore(%run_scoped3A : memref<!tpu.dma_semaphore, #tpu.memory_space<semaphore_mem>>) src(%arg6 : memref<256x128xf32, #tpu.memory_space<vmem>>) dst(%dma_wait3A_12 : memref<256x128xf32, #tpu.memory_space<hbm>>)
      tpu.yield
    }) : () -> ()
    return
  }
}

module attributes {stable_mosaic.version = 14 : i64} {
  func.func @_select_kernel(%arg0: memref<2x256x32xf32, #tpu.memory_space<vmem>>, %arg1: memref<32x8192xf32, #tpu.memory_space<vmem>>, %arg2: memref<2x256x8xi32, #tpu.memory_space<vmem>>) attributes {dimension_semantics = [], scalar_prefetch = 0 : i64, scratch_operands = 0 : i64, tpu.core_type = #tpu.core_type<tc>} {
    %get3A = arith.constant 0 : index
    %get3A_0 = arith.constant 0 : index
    %get3A_1 = vector.load %arg1[%get3A, %get3A_0] : memref<32x8192xf32, #tpu.memory_space<vmem>>, vector<32x8192xf32>
    %mul3A = arith.mulf %get3A_1, %get3A_1 : vector<32x8192xf32>
    %reduce_sum3A = arith.constant dense<0.000000e+00> : vector<8192xf32>
    %reduce_sum3A_2 = vector.multi_reduction <add>, %mul3A, %reduce_sum3A [0] : vector<32x8192xf32> to vector<8192xf32>
    %broadcast_in_dim3A = vector.shape_cast %reduce_sum3A_2 : vector<8192xf32> to vector<1x8192xf32>
    %iota3A = tpu.iota {dimensions = array<i32: 1>} : vector<256x8192xi32>
    %get3A_3 = arith.constant 0 : index
    %get3A_4 = arith.constant 0 : index
    %get3A_5 = arith.constant 0 : index
    %get3A_6 = vector.load %arg0[%get3A_3, %get3A_4, %get3A_5] : memref<2x256x32xf32, #tpu.memory_space<vmem>>, vector<1x256x32xf32>
    %get3A_7 = vector.shape_cast %get3A_6 : vector<1x256x32xf32> to vector<256x32xf32>
    %dot_general3A = arith.constant dense<0.000000e+00> : vector<256x8192xf32>
    %dot_general3A_8 = tpu.matmul %get3A_7, %get3A_1, %dot_general3A {dimension_numbers = #tpu.dot_dimension_numbers<[1], [0], [0], [1], [0, 0, 1, 1], [], []>, transpose_lhs_hint = false} : vector<256x32xf32>, vector<32x8192xf32>, vector<256x8192xf32> -> vector<256x8192xf32>
    %mul3A_9 = arith.constant 2.000000e+00 : f32
    %mul3A_10 = vector.broadcast %mul3A_9 : f32 to vector<256x8192xf32>
    %mul3A_11 = arith.mulf %mul3A_10, %dot_general3A_8 : vector<256x8192xf32>
    %sub3A = vector.broadcast %broadcast_in_dim3A : vector<1x8192xf32> to vector<256x8192xf32>
    %sub3A_12 = arith.subf %sub3A, %mul3A_11 : vector<256x8192xf32>
    %bitcast_convert_type3A = tpu.bitcast %sub3A_12 : vector<256x8192xf32> -> vector<256x8192xi32>
    %lt3A = arith.constant 0 : i32
    %lt3A_13 = vector.broadcast %lt3A : i32 to vector<256x8192xi32>
    %lt3A_14 = arith.cmpi slt, %bitcast_convert_type3A, %lt3A_13 : vector<256x8192xi32>
    %jit3A = arith.constant 2147483647 : i32
    %jit3A_15 = arith.constant 0 : i32
    %broadcast_in_dim3A_16 = vector.broadcast %jit3A : i32 to vector<256x8192xi32>
    %broadcast_in_dim3A_17 = vector.broadcast %jit3A_15 : i32 to vector<256x8192xi32>
    %select_n3A = arith.select %lt3A_14, %broadcast_in_dim3A_16, %broadcast_in_dim3A_17 : vector<256x8192xi1>, vector<256x8192xi32>
    %xor3A = arith.xori %bitcast_convert_type3A, %select_n3A : vector<256x8192xi32>
    %and3A = arith.constant -8192 : i32
    %and3A_18 = vector.broadcast %and3A : i32 to vector<256x8192xi32>
    %and3A_19 = arith.andi %xor3A, %and3A_18 : vector<256x8192xi32>
    %or3A = arith.ori %and3A_19, %iota3A : vector<256x8192xi32>
    %slice3A = vector.extract_strided_slice %or3A {offsets = [0, 0], sizes = [256, 4096], strides = [1, 1]} : vector<256x8192xi32> to vector<256x4096xi32>
    %slice3A_20 = vector.extract_strided_slice %or3A {offsets = [0, 4096], sizes = [256, 4096], strides = [1, 1]} : vector<256x8192xi32> to vector<256x4096xi32>
    %min3A = arith.minsi %slice3A, %slice3A_20 : vector<256x4096xi32>
    %max3A = arith.maxsi %slice3A, %slice3A_20 : vector<256x4096xi32>
    %slice3A_21 = vector.extract_strided_slice %min3A {offsets = [0, 0], sizes = [256, 2048], strides = [1, 1]} : vector<256x4096xi32> to vector<256x2048xi32>
    %slice3A_22 = vector.extract_strided_slice %min3A {offsets = [0, 2048], sizes = [256, 2048], strides = [1, 1]} : vector<256x4096xi32> to vector<256x2048xi32>
    %min3A_23 = arith.minsi %slice3A_21, %slice3A_22 : vector<256x2048xi32>
    %max3A_24 = arith.maxsi %slice3A_21, %slice3A_22 : vector<256x2048xi32>
    %slice3A_25 = vector.extract_strided_slice %max3A {offsets = [0, 0], sizes = [256, 2048], strides = [1, 1]} : vector<256x4096xi32> to vector<256x2048xi32>
    %slice3A_26 = vector.extract_strided_slice %max3A {offsets = [0, 2048], sizes = [256, 2048], strides = [1, 1]} : vector<256x4096xi32> to vector<256x2048xi32>
    %min3A_27 = arith.minsi %slice3A_25, %slice3A_26 : vector<256x2048xi32>
    %min3A_28 = arith.minsi %max3A_24, %min3A_27 : vector<256x2048xi32>
    %slice3A_29 = vector.extract_strided_slice %min3A_23 {offsets = [0, 0], sizes = [256, 1024], strides = [1, 1]} : vector<256x2048xi32> to vector<256x1024xi32>
    %slice3A_30 = vector.extract_strided_slice %min3A_23 {offsets = [0, 1024], sizes = [256, 1024], strides = [1, 1]} : vector<256x2048xi32> to vector<256x1024xi32>
    %min3A_31 = arith.minsi %slice3A_29, %slice3A_30 : vector<256x1024xi32>
    %max3A_32 = arith.maxsi %slice3A_29, %slice3A_30 : vector<256x1024xi32>
    %slice3A_33 = vector.extract_strided_slice %min3A_28 {offsets = [0, 0], sizes = [256, 1024], strides = [1, 1]} : vector<256x2048xi32> to vector<256x1024xi32>
    %slice3A_34 = vector.extract_strided_slice %min3A_28 {offsets = [0, 1024], sizes = [256, 1024], strides = [1, 1]} : vector<256x2048xi32> to vector<256x1024xi32>
    %min3A_35 = arith.minsi %slice3A_33, %slice3A_34 : vector<256x1024xi32>
    %min3A_36 = arith.minsi %max3A_32, %min3A_35 : vector<256x1024xi32>
    %slice3A_37 = vector.extract_strided_slice %min3A_31 {offsets = [0, 0], sizes = [256, 512], strides = [1, 1]} : vector<256x1024xi32> to vector<256x512xi32>
    %slice3A_38 = vector.extract_strided_slice %min3A_31 {offsets = [0, 512], sizes = [256, 512], strides = [1, 1]} : vector<256x1024xi32> to vector<256x512xi32>
    %min3A_39 = arith.minsi %slice3A_37, %slice3A_38 : vector<256x512xi32>
    %max3A_40 = arith.maxsi %slice3A_37, %slice3A_38 : vector<256x512xi32>
    %slice3A_41 = vector.extract_strided_slice %min3A_36 {offsets = [0, 0], sizes = [256, 512], strides = [1, 1]} : vector<256x1024xi32> to vector<256x512xi32>
    %slice3A_42 = vector.extract_strided_slice %min3A_36 {offsets = [0, 512], sizes = [256, 512], strides = [1, 1]} : vector<256x1024xi32> to vector<256x512xi32>
    %min3A_43 = arith.minsi %slice3A_41, %slice3A_42 : vector<256x512xi32>
    %min3A_44 = arith.minsi %max3A_40, %min3A_43 : vector<256x512xi32>
    %slice3A_45 = vector.extract_strided_slice %min3A_39 {offsets = [0, 0], sizes = [256, 256], strides = [1, 1]} : vector<256x512xi32> to vector<256x256xi32>
    %slice3A_46 = vector.extract_strided_slice %min3A_39 {offsets = [0, 256], sizes = [256, 256], strides = [1, 1]} : vector<256x512xi32> to vector<256x256xi32>
    %min3A_47 = arith.minsi %slice3A_45, %slice3A_46 : vector<256x256xi32>
    %max3A_48 = arith.maxsi %slice3A_45, %slice3A_46 : vector<256x256xi32>
    %slice3A_49 = vector.extract_strided_slice %min3A_44 {offsets = [0, 0], sizes = [256, 256], strides = [1, 1]} : vector<256x512xi32> to vector<256x256xi32>
    %slice3A_50 = vector.extract_strided_slice %min3A_44 {offsets = [0, 256], sizes = [256, 256], strides = [1, 1]} : vector<256x512xi32> to vector<256x256xi32>
    %min3A_51 = arith.minsi %slice3A_49, %slice3A_50 : vector<256x256xi32>
    %min3A_52 = arith.minsi %max3A_48, %min3A_51 : vector<256x256xi32>
    %slice3A_53 = vector.extract_strided_slice %min3A_47 {offsets = [0, 0], sizes = [256, 128], strides = [1, 1]} : vector<256x256xi32> to vector<256x128xi32>
    %slice3A_54 = vector.extract_strided_slice %min3A_47 {offsets = [0, 128], sizes = [256, 128], strides = [1, 1]} : vector<256x256xi32> to vector<256x128xi32>
    %min3A_55 = arith.minsi %slice3A_53, %slice3A_54 : vector<256x128xi32>
    %max3A_56 = arith.maxsi %slice3A_53, %slice3A_54 : vector<256x128xi32>
    %slice3A_57 = vector.extract_strided_slice %min3A_52 {offsets = [0, 0], sizes = [256, 128], strides = [1, 1]} : vector<256x256xi32> to vector<256x128xi32>
    %slice3A_58 = vector.extract_strided_slice %min3A_52 {offsets = [0, 128], sizes = [256, 128], strides = [1, 1]} : vector<256x256xi32> to vector<256x128xi32>
    %min3A_59 = arith.minsi %slice3A_57, %slice3A_58 : vector<256x128xi32>
    %min3A_60 = arith.minsi %max3A_56, %min3A_59 : vector<256x128xi32>
    %concatenate3A = tpu.concatenate %min3A_55, %min3A_60 in 1 : vector<256x128xi32>, vector<256x128xi32> -> vector<256x256xi32>
    %reduce_min3A = arith.constant dense<2147483647> : vector<256xi32>
    %reduce_min3A_61 = vector.multi_reduction <minsi>, %concatenate3A, %reduce_min3A [1] : vector<256x256xi32> to vector<256xi32>
    %broadcast_in_dim3A_62 = vector.shape_cast %reduce_min3A_61 : vector<256xi32> to vector<256x1xi32>
    %eq3A = vector.broadcast %broadcast_in_dim3A_62 : vector<256x1xi32> to vector<256x256xi32>
    %eq3A_63 = arith.cmpi eq, %concatenate3A, %eq3A : vector<256x256xi32>
    %jit3A_64 = arith.constant 2147483647 : i32
    %broadcast_in_dim3A_65 = vector.broadcast %jit3A_64 : i32 to vector<256x256xi32>
    %select_n3A_66 = arith.select %eq3A_63, %broadcast_in_dim3A_65, %concatenate3A : vector<256x256xi1>, vector<256x256xi32>
    %reduce_min3A_67 = arith.constant dense<2147483647> : vector<256xi32>
    %reduce_min3A_68 = vector.multi_reduction <minsi>, %select_n3A_66, %reduce_min3A_67 [1] : vector<256x256xi32> to vector<256xi32>
    %broadcast_in_dim3A_69 = vector.shape_cast %reduce_min3A_68 : vector<256xi32> to vector<256x1xi32>
    %eq3A_70 = vector.broadcast %broadcast_in_dim3A_69 : vector<256x1xi32> to vector<256x256xi32>
    %eq3A_71 = arith.cmpi eq, %select_n3A_66, %eq3A_70 : vector<256x256xi32>
    %jit3A_72 = arith.constant 2147483647 : i32
    %broadcast_in_dim3A_73 = vector.broadcast %jit3A_72 : i32 to vector<256x256xi32>
    %select_n3A_74 = arith.select %eq3A_71, %broadcast_in_dim3A_73, %select_n3A_66 : vector<256x256xi1>, vector<256x256xi32>
    %reduce_min3A_75 = arith.constant dense<2147483647> : vector<256xi32>
    %reduce_min3A_76 = vector.multi_reduction <minsi>, %select_n3A_74, %reduce_min3A_75 [1] : vector<256x256xi32> to vector<256xi32>
    %broadcast_in_dim3A_77 = vector.shape_cast %reduce_min3A_76 : vector<256xi32> to vector<256x1xi32>
    %eq3A_78 = vector.broadcast %broadcast_in_dim3A_77 : vector<256x1xi32> to vector<256x256xi32>
    %eq3A_79 = arith.cmpi eq, %select_n3A_74, %eq3A_78 : vector<256x256xi32>
    %jit3A_80 = arith.constant 2147483647 : i32
    %broadcast_in_dim3A_81 = vector.broadcast %jit3A_80 : i32 to vector<256x256xi32>
    %select_n3A_82 = arith.select %eq3A_79, %broadcast_in_dim3A_81, %select_n3A_74 : vector<256x256xi1>, vector<256x256xi32>
    %reduce_min3A_83 = arith.constant dense<2147483647> : vector<256xi32>
    %reduce_min3A_84 = vector.multi_reduction <minsi>, %select_n3A_82, %reduce_min3A_83 [1] : vector<256x256xi32> to vector<256xi32>
    %broadcast_in_dim3A_85 = vector.shape_cast %reduce_min3A_84 : vector<256xi32> to vector<256x1xi32>
    %eq3A_86 = vector.broadcast %broadcast_in_dim3A_85 : vector<256x1xi32> to vector<256x256xi32>
    %eq3A_87 = arith.cmpi eq, %select_n3A_82, %eq3A_86 : vector<256x256xi32>
    %jit3A_88 = arith.constant 2147483647 : i32
    %broadcast_in_dim3A_89 = vector.broadcast %jit3A_88 : i32 to vector<256x256xi32>
    %select_n3A_90 = arith.select %eq3A_87, %broadcast_in_dim3A_89, %select_n3A_82 : vector<256x256xi1>, vector<256x256xi32>
    %reduce_min3A_91 = arith.constant dense<2147483647> : vector<256xi32>
    %reduce_min3A_92 = vector.multi_reduction <minsi>, %select_n3A_90, %reduce_min3A_91 [1] : vector<256x256xi32> to vector<256xi32>
    %broadcast_in_dim3A_93 = vector.shape_cast %reduce_min3A_92 : vector<256xi32> to vector<256x1xi32>
    %eq3A_94 = vector.broadcast %broadcast_in_dim3A_93 : vector<256x1xi32> to vector<256x256xi32>
    %eq3A_95 = arith.cmpi eq, %select_n3A_90, %eq3A_94 : vector<256x256xi32>
    %jit3A_96 = arith.constant 2147483647 : i32
    %broadcast_in_dim3A_97 = vector.broadcast %jit3A_96 : i32 to vector<256x256xi32>
    %select_n3A_98 = arith.select %eq3A_95, %broadcast_in_dim3A_97, %select_n3A_90 : vector<256x256xi1>, vector<256x256xi32>
    %reduce_min3A_99 = arith.constant dense<2147483647> : vector<256xi32>
    %reduce_min3A_100 = vector.multi_reduction <minsi>, %select_n3A_98, %reduce_min3A_99 [1] : vector<256x256xi32> to vector<256xi32>
    %broadcast_in_dim3A_101 = vector.shape_cast %reduce_min3A_100 : vector<256xi32> to vector<256x1xi32>
    %eq3A_102 = vector.broadcast %broadcast_in_dim3A_101 : vector<256x1xi32> to vector<256x256xi32>
    %eq3A_103 = arith.cmpi eq, %select_n3A_98, %eq3A_102 : vector<256x256xi32>
    %jit3A_104 = arith.constant 2147483647 : i32
    %broadcast_in_dim3A_105 = vector.broadcast %jit3A_104 : i32 to vector<256x256xi32>
    %select_n3A_106 = arith.select %eq3A_103, %broadcast_in_dim3A_105, %select_n3A_98 : vector<256x256xi1>, vector<256x256xi32>
    %reduce_min3A_107 = arith.constant dense<2147483647> : vector<256xi32>
    %reduce_min3A_108 = vector.multi_reduction <minsi>, %select_n3A_106, %reduce_min3A_107 [1] : vector<256x256xi32> to vector<256xi32>
    %broadcast_in_dim3A_109 = vector.shape_cast %reduce_min3A_108 : vector<256xi32> to vector<256x1xi32>
    %eq3A_110 = vector.broadcast %broadcast_in_dim3A_109 : vector<256x1xi32> to vector<256x256xi32>
    %eq3A_111 = arith.cmpi eq, %select_n3A_106, %eq3A_110 : vector<256x256xi32>
    %jit3A_112 = arith.constant 2147483647 : i32
    %broadcast_in_dim3A_113 = vector.broadcast %jit3A_112 : i32 to vector<256x256xi32>
    %select_n3A_114 = arith.select %eq3A_111, %broadcast_in_dim3A_113, %select_n3A_106 : vector<256x256xi1>, vector<256x256xi32>
    %reduce_min3A_115 = arith.constant dense<2147483647> : vector<256xi32>
    %reduce_min3A_116 = vector.multi_reduction <minsi>, %select_n3A_114, %reduce_min3A_115 [1] : vector<256x256xi32> to vector<256xi32>
    %broadcast_in_dim3A_117 = vector.shape_cast %reduce_min3A_116 : vector<256xi32> to vector<256x1xi32>
    %concatenate3A_118 = tpu.concatenate %broadcast_in_dim3A_62, %broadcast_in_dim3A_69, %broadcast_in_dim3A_77, %broadcast_in_dim3A_85, %broadcast_in_dim3A_93, %broadcast_in_dim3A_101, %broadcast_in_dim3A_109, %broadcast_in_dim3A_117 in 1 : vector<256x1xi32>, vector<256x1xi32>, vector<256x1xi32>, vector<256x1xi32>, vector<256x1xi32>, vector<256x1xi32>, vector<256x1xi32>, vector<256x1xi32> -> vector<256x8xi32>
    %and3A_119 = arith.constant 8191 : i32
    %and3A_120 = vector.broadcast %and3A_119 : i32 to vector<256x8xi32>
    %and3A_121 = arith.andi %concatenate3A_118, %and3A_120 : vector<256x8xi32>
    %swap3A = arith.constant 0 : index
    %swap3A_122 = arith.constant 0 : index
    %swap3A_123 = arith.constant 0 : index
    %swap3A_124 = vector.load %arg2[%swap3A, %swap3A_122, %swap3A_123] : memref<2x256x8xi32, #tpu.memory_space<vmem>>, vector<1x256x8xi32>
    %swap3A_125 = vector.shape_cast %swap3A_124 : vector<1x256x8xi32> to vector<256x8xi32>
    %swap3A_126 = vector.shape_cast %and3A_121 : vector<256x8xi32> to vector<1x256x8xi32>
    tpu.vector_store %arg2[%swap3A, %swap3A_122, %swap3A_123], %swap3A_126 {strides = array<i32>} : memref<2x256x8xi32, #tpu.memory_space<vmem>>, vector<1x256x8xi32>,
    %get3A_127 = arith.constant 1 : index
    %get3A_128 = arith.constant 0 : index
    %get3A_129 = arith.constant 0 : index
    %get3A_130 = vector.load %arg0[%get3A_127, %get3A_128, %get3A_129] : memref<2x256x32xf32, #tpu.memory_space<vmem>>, vector<1x256x32xf32>
    %get3A_131 = vector.shape_cast %get3A_130 : vector<1x256x32xf32> to vector<256x32xf32>
    %dot_general3A_132 = arith.constant dense<0.000000e+00> : vector<256x8192xf32>
    %dot_general3A_133 = tpu.matmul %get3A_131, %get3A_1, %dot_general3A_132 {dimension_numbers = #tpu.dot_dimension_numbers<[1], [0], [0], [1], [0, 0, 1, 1], [], []>, transpose_lhs_hint = false} : vector<256x32xf32>, vector<32x8192xf32>, vector<256x8192xf32> -> vector<256x8192xf32>
    %mul3A_134 = arith.constant 2.000000e+00 : f32
    %mul3A_135 = vector.broadcast %mul3A_134 : f32 to vector<256x8192xf32>
    %mul3A_136 = arith.mulf %mul3A_135, %dot_general3A_133 : vector<256x8192xf32>
    %sub3A_137 = vector.broadcast %broadcast_in_dim3A : vector<1x8192xf32> to vector<256x8192xf32>
    %sub3A_138 = arith.subf %sub3A_137, %mul3A_136 : vector<256x8192xf32>
    %bitcast_convert_type3A_139 = tpu.bitcast %sub3A_138 : vector<256x8192xf32> -> vector<256x8192xi32>
    %lt3A_140 = arith.constant 0 : i32
    %lt3A_141 = vector.broadcast %lt3A_140 : i32 to vector<256x8192xi32>
    %lt3A_142 = arith.cmpi slt, %bitcast_convert_type3A_139, %lt3A_141 : vector<256x8192xi32>
    %jit3A_143 = arith.constant 2147483647 : i32
    %jit3A_144 = arith.constant 0 : i32
    %broadcast_in_dim3A_145 = vector.broadcast %jit3A_143 : i32 to vector<256x8192xi32>
    %broadcast_in_dim3A_146 = vector.broadcast %jit3A_144 : i32 to vector<256x8192xi32>
    %select_n3A_147 = arith.select %lt3A_142, %broadcast_in_dim3A_145, %broadcast_in_dim3A_146 : vector<256x8192xi1>, vector<256x8192xi32>
    %xor3A_148 = arith.xori %bitcast_convert_type3A_139, %select_n3A_147 : vector<256x8192xi32>
    %and3A_149 = arith.constant -8192 : i32
    %and3A_150 = vector.broadcast %and3A_149 : i32 to vector<256x8192xi32>
    %and3A_151 = arith.andi %xor3A_148, %and3A_150 : vector<256x8192xi32>
    %or3A_152 = arith.ori %and3A_151, %iota3A : vector<256x8192xi32>
    %slice3A_153 = vector.extract_strided_slice %or3A_152 {offsets = [0, 0], sizes = [256, 4096], strides = [1, 1]} : vector<256x8192xi32> to vector<256x4096xi32>
    %slice3A_154 = vector.extract_strided_slice %or3A_152 {offsets = [0, 4096], sizes = [256, 4096], strides = [1, 1]} : vector<256x8192xi32> to vector<256x4096xi32>
    %min3A_155 = arith.minsi %slice3A_153, %slice3A_154 : vector<256x4096xi32>
    %max3A_156 = arith.maxsi %slice3A_153, %slice3A_154 : vector<256x4096xi32>
    %slice3A_157 = vector.extract_strided_slice %min3A_155 {offsets = [0, 0], sizes = [256, 2048], strides = [1, 1]} : vector<256x4096xi32> to vector<256x2048xi32>
    %slice3A_158 = vector.extract_strided_slice %min3A_155 {offsets = [0, 2048], sizes = [256, 2048], strides = [1, 1]} : vector<256x4096xi32> to vector<256x2048xi32>
    %min3A_159 = arith.minsi %slice3A_157, %slice3A_158 : vector<256x2048xi32>
    %max3A_160 = arith.maxsi %slice3A_157, %slice3A_158 : vector<256x2048xi32>
    %slice3A_161 = vector.extract_strided_slice %max3A_156 {offsets = [0, 0], sizes = [256, 2048], strides = [1, 1]} : vector<256x4096xi32> to vector<256x2048xi32>
    %slice3A_162 = vector.extract_strided_slice %max3A_156 {offsets = [0, 2048], sizes = [256, 2048], strides = [1, 1]} : vector<256x4096xi32> to vector<256x2048xi32>
    %min3A_163 = arith.minsi %slice3A_161, %slice3A_162 : vector<256x2048xi32>
    %min3A_164 = arith.minsi %max3A_160, %min3A_163 : vector<256x2048xi32>
    %slice3A_165 = vector.extract_strided_slice %min3A_159 {offsets = [0, 0], sizes = [256, 1024], strides = [1, 1]} : vector<256x2048xi32> to vector<256x1024xi32>
    %slice3A_166 = vector.extract_strided_slice %min3A_159 {offsets = [0, 1024], sizes = [256, 1024], strides = [1, 1]} : vector<256x2048xi32> to vector<256x1024xi32>
    %min3A_167 = arith.minsi %slice3A_165, %slice3A_166 : vector<256x1024xi32>
    %max3A_168 = arith.maxsi %slice3A_165, %slice3A_166 : vector<256x1024xi32>
    %slice3A_169 = vector.extract_strided_slice %min3A_164 {offsets = [0, 0], sizes = [256, 1024], strides = [1, 1]} : vector<256x2048xi32> to vector<256x1024xi32>
    %slice3A_170 = vector.extract_strided_slice %min3A_164 {offsets = [0, 1024], sizes = [256, 1024], strides = [1, 1]} : vector<256x2048xi32> to vector<256x1024xi32>
    %min3A_171 = arith.minsi %slice3A_169, %slice3A_170 : vector<256x1024xi32>
    %min3A_172 = arith.minsi %max3A_168, %min3A_171 : vector<256x1024xi32>
    %slice3A_173 = vector.extract_strided_slice %min3A_167 {offsets = [0, 0], sizes = [256, 512], strides = [1, 1]} : vector<256x1024xi32> to vector<256x512xi32>
    %slice3A_174 = vector.extract_strided_slice %min3A_167 {offsets = [0, 512], sizes = [256, 512], strides = [1, 1]} : vector<256x1024xi32> to vector<256x512xi32>
    %min3A_175 = arith.minsi %slice3A_173, %slice3A_174 : vector<256x512xi32>
    %max3A_176 = arith.maxsi %slice3A_173, %slice3A_174 : vector<256x512xi32>
    %slice3A_177 = vector.extract_strided_slice %min3A_172 {offsets = [0, 0], sizes = [256, 512], strides = [1, 1]} : vector<256x1024xi32> to vector<256x512xi32>
    %slice3A_178 = vector.extract_strided_slice %min3A_172 {offsets = [0, 512], sizes = [256, 512], strides = [1, 1]} : vector<256x1024xi32> to vector<256x512xi32>
    %min3A_179 = arith.minsi %slice3A_177, %slice3A_178 : vector<256x512xi32>
    %min3A_180 = arith.minsi %max3A_176, %min3A_179 : vector<256x512xi32>
    %slice3A_181 = vector.extract_strided_slice %min3A_175 {offsets = [0, 0], sizes = [256, 256], strides = [1, 1]} : vector<256x512xi32> to vector<256x256xi32>
    %slice3A_182 = vector.extract_strided_slice %min3A_175 {offsets = [0, 256], sizes = [256, 256], strides = [1, 1]} : vector<256x512xi32> to vector<256x256xi32>
    %min3A_183 = arith.minsi %slice3A_181, %slice3A_182 : vector<256x256xi32>
    %max3A_184 = arith.maxsi %slice3A_181, %slice3A_182 : vector<256x256xi32>
    %slice3A_185 = vector.extract_strided_slice %min3A_180 {offsets = [0, 0], sizes = [256, 256], strides = [1, 1]} : vector<256x512xi32> to vector<256x256xi32>
    %slice3A_186 = vector.extract_strided_slice %min3A_180 {offsets = [0, 256], sizes = [256, 256], strides = [1, 1]} : vector<256x512xi32> to vector<256x256xi32>
    %min3A_187 = arith.minsi %slice3A_185, %slice3A_186 : vector<256x256xi32>
    %min3A_188 = arith.minsi %max3A_184, %min3A_187 : vector<256x256xi32>
    %slice3A_189 = vector.extract_strided_slice %min3A_183 {offsets = [0, 0], sizes = [256, 128], strides = [1, 1]} : vector<256x256xi32> to vector<256x128xi32>
    %slice3A_190 = vector.extract_strided_slice %min3A_183 {offsets = [0, 128], sizes = [256, 128], strides = [1, 1]} : vector<256x256xi32> to vector<256x128xi32>
    %min3A_191 = arith.minsi %slice3A_189, %slice3A_190 : vector<256x128xi32>
    %max3A_192 = arith.maxsi %slice3A_189, %slice3A_190 : vector<256x128xi32>
    %slice3A_193 = vector.extract_strided_slice %min3A_188 {offsets = [0, 0], sizes = [256, 128], strides = [1, 1]} : vector<256x256xi32> to vector<256x128xi32>
    %slice3A_194 = vector.extract_strided_slice %min3A_188 {offsets = [0, 128], sizes = [256, 128], strides = [1, 1]} : vector<256x256xi32> to vector<256x128xi32>
    %min3A_195 = arith.minsi %slice3A_193, %slice3A_194 : vector<256x128xi32>
    %min3A_196 = arith.minsi %max3A_192, %min3A_195 : vector<256x128xi32>
    %concatenate3A_197 = tpu.concatenate %min3A_191, %min3A_196 in 1 : vector<256x128xi32>, vector<256x128xi32> -> vector<256x256xi32>
    %reduce_min3A_198 = arith.constant dense<2147483647> : vector<256xi32>
    %reduce_min3A_199 = vector.multi_reduction <minsi>, %concatenate3A_197, %reduce_min3A_198 [1] : vector<256x256xi32> to vector<256xi32>
    %broadcast_in_dim3A_200 = vector.shape_cast %reduce_min3A_199 : vector<256xi32> to vector<256x1xi32>
    %eq3A_201 = vector.broadcast %broadcast_in_dim3A_200 : vector<256x1xi32> to vector<256x256xi32>
    %eq3A_202 = arith.cmpi eq, %concatenate3A_197, %eq3A_201 : vector<256x256xi32>
    %jit3A_203 = arith.constant 2147483647 : i32
    %broadcast_in_dim3A_204 = vector.broadcast %jit3A_203 : i32 to vector<256x256xi32>
    %select_n3A_205 = arith.select %eq3A_202, %broadcast_in_dim3A_204, %concatenate3A_197 : vector<256x256xi1>, vector<256x256xi32>
    %reduce_min3A_206 = arith.constant dense<2147483647> : vector<256xi32>
    %reduce_min3A_207 = vector.multi_reduction <minsi>, %select_n3A_205, %reduce_min3A_206 [1] : vector<256x256xi32> to vector<256xi32>
    %broadcast_in_dim3A_208 = vector.shape_cast %reduce_min3A_207 : vector<256xi32> to vector<256x1xi32>
    %eq3A_209 = vector.broadcast %broadcast_in_dim3A_208 : vector<256x1xi32> to vector<256x256xi32>
    %eq3A_210 = arith.cmpi eq, %select_n3A_205, %eq3A_209 : vector<256x256xi32>
    %jit3A_211 = arith.constant 2147483647 : i32
    %broadcast_in_dim3A_212 = vector.broadcast %jit3A_211 : i32 to vector<256x256xi32>
    %select_n3A_213 = arith.select %eq3A_210, %broadcast_in_dim3A_212, %select_n3A_205 : vector<256x256xi1>, vector<256x256xi32>
    %reduce_min3A_214 = arith.constant dense<2147483647> : vector<256xi32>
    %reduce_min3A_215 = vector.multi_reduction <minsi>, %select_n3A_213, %reduce_min3A_214 [1] : vector<256x256xi32> to vector<256xi32>
    %broadcast_in_dim3A_216 = vector.shape_cast %reduce_min3A_215 : vector<256xi32> to vector<256x1xi32>
    %eq3A_217 = vector.broadcast %broadcast_in_dim3A_216 : vector<256x1xi32> to vector<256x256xi32>
    %eq3A_218 = arith.cmpi eq, %select_n3A_213, %eq3A_217 : vector<256x256xi32>
    %jit3A_219 = arith.constant 2147483647 : i32
    %broadcast_in_dim3A_220 = vector.broadcast %jit3A_219 : i32 to vector<256x256xi32>
    %select_n3A_221 = arith.select %eq3A_218, %broadcast_in_dim3A_220, %select_n3A_213 : vector<256x256xi1>, vector<256x256xi32>
    %reduce_min3A_222 = arith.constant dense<2147483647> : vector<256xi32>
    %reduce_min3A_223 = vector.multi_reduction <minsi>, %select_n3A_221, %reduce_min3A_222 [1] : vector<256x256xi32> to vector<256xi32>
    %broadcast_in_dim3A_224 = vector.shape_cast %reduce_min3A_223 : vector<256xi32> to vector<256x1xi32>
    %eq3A_225 = vector.broadcast %broadcast_in_dim3A_224 : vector<256x1xi32> to vector<256x256xi32>
    %eq3A_226 = arith.cmpi eq, %select_n3A_221, %eq3A_225 : vector<256x256xi32>
    %jit3A_227 = arith.constant 2147483647 : i32
    %broadcast_in_dim3A_228 = vector.broadcast %jit3A_227 : i32 to vector<256x256xi32>
    %select_n3A_229 = arith.select %eq3A_226, %broadcast_in_dim3A_228, %select_n3A_221 : vector<256x256xi1>, vector<256x256xi32>
    %reduce_min3A_230 = arith.constant dense<2147483647> : vector<256xi32>
    %reduce_min3A_231 = vector.multi_reduction <minsi>, %select_n3A_229, %reduce_min3A_230 [1] : vector<256x256xi32> to vector<256xi32>
    %broadcast_in_dim3A_232 = vector.shape_cast %reduce_min3A_231 : vector<256xi32> to vector<256x1xi32>
    %eq3A_233 = vector.broadcast %broadcast_in_dim3A_232 : vector<256x1xi32> to vector<256x256xi32>
    %eq3A_234 = arith.cmpi eq, %select_n3A_229, %eq3A_233 : vector<256x256xi32>
    %jit3A_235 = arith.constant 2147483647 : i32
    %broadcast_in_dim3A_236 = vector.broadcast %jit3A_235 : i32 to vector<256x256xi32>
    %select_n3A_237 = arith.select %eq3A_234, %broadcast_in_dim3A_236, %select_n3A_229 : vector<256x256xi1>, vector<256x256xi32>
    %reduce_min3A_238 = arith.constant dense<2147483647> : vector<256xi32>
    %reduce_min3A_239 = vector.multi_reduction <minsi>, %select_n3A_237, %reduce_min3A_238 [1] : vector<256x256xi32> to vector<256xi32>
    %broadcast_in_dim3A_240 = vector.shape_cast %reduce_min3A_239 : vector<256xi32> to vector<256x1xi32>
    %eq3A_241 = vector.broadcast %broadcast_in_dim3A_240 : vector<256x1xi32> to vector<256x256xi32>
    %eq3A_242 = arith.cmpi eq, %select_n3A_237, %eq3A_241 : vector<256x256xi32>
    %jit3A_243 = arith.constant 2147483647 : i32
    %broadcast_in_dim3A_244 = vector.broadcast %jit3A_243 : i32 to vector<256x256xi32>
    %select_n3A_245 = arith.select %eq3A_242, %broadcast_in_dim3A_244, %select_n3A_237 : vector<256x256xi1>, vector<256x256xi32>
    %reduce_min3A_246 = arith.constant dense<2147483647> : vector<256xi32>
    %reduce_min3A_247 = vector.multi_reduction <minsi>, %select_n3A_245, %reduce_min3A_246 [1] : vector<256x256xi32> to vector<256xi32>
    %broadcast_in_dim3A_248 = vector.shape_cast %reduce_min3A_247 : vector<256xi32> to vector<256x1xi32>
    %eq3A_249 = vector.broadcast %broadcast_in_dim3A_248 : vector<256x1xi32> to vector<256x256xi32>
    %eq3A_250 = arith.cmpi eq, %select_n3A_245, %eq3A_249 : vector<256x256xi32>
    %jit3A_251 = arith.constant 2147483647 : i32
    %broadcast_in_dim3A_252 = vector.broadcast %jit3A_251 : i32 to vector<256x256xi32>
    %select_n3A_253 = arith.select %eq3A_250, %broadcast_in_dim3A_252, %select_n3A_245 : vector<256x256xi1>, vector<256x256xi32>
    %reduce_min3A_254 = arith.constant dense<2147483647> : vector<256xi32>
    %reduce_min3A_255 = vector.multi_reduction <minsi>, %select_n3A_253, %reduce_min3A_254 [1] : vector<256x256xi32> to vector<256xi32>
    %broadcast_in_dim3A_256 = vector.shape_cast %reduce_min3A_255 : vector<256xi32> to vector<256x1xi32>
    %concatenate3A_257 = tpu.concatenate %broadcast_in_dim3A_200, %broadcast_in_dim3A_208, %broadcast_in_dim3A_216, %broadcast_in_dim3A_224, %broadcast_in_dim3A_232, %broadcast_in_dim3A_240, %broadcast_in_dim3A_248, %broadcast_in_dim3A_256 in 1 : vector<256x1xi32>, vector<256x1xi32>, vector<256x1xi32>, vector<256x1xi32>, vector<256x1xi32>, vector<256x1xi32>, vector<256x1xi32>, vector<256x1xi32> -> vector<256x8xi32>
    %and3A_258 = arith.constant 8191 : i32
    %and3A_259 = vector.broadcast %and3A_258 : i32 to vector<256x8xi32>
    %and3A_260 = arith.andi %concatenate3A_257, %and3A_259 : vector<256x8xi32>
    %swap3A_261 = arith.constant 1 : index
    %swap3A_262 = arith.constant 0 : index
    %swap3A_263 = arith.constant 0 : index
    %swap3A_264 = vector.load %arg2[%swap3A_261, %swap3A_262, %swap3A_263] : memref<2x256x8xi32, #tpu.memory_space<vmem>>, vector<1x256x8xi32>
    %swap3A_265 = vector.shape_cast %swap3A_264 : vector<1x256x8xi32> to vector<256x8xi32>
    %swap3A_266 = vector.shape_cast %and3A_260 : vector<256x8xi32> to vector<1x256x8xi32>
    tpu.vector_store %arg2[%swap3A_261, %swap3A_262, %swap3A_263], %swap3A_266 {strides = array<i32>} : memref<2x256x8xi32, #tpu.memory_space<vmem>>, vector<1x256x8xi32>,
    return
  }
}

module attributes {stable_mosaic.version = 14 : i64} {
  func.func @_rescore_kernel(%arg0: memref<2x32x2048xf32, #tpu.memory_space<vmem>>, %arg1: memref<2x32x256xf32, #tpu.memory_space<vmem>>, %arg2: memref<2x32x256xf32, #tpu.memory_space<vmem>>, %arg3: memref<2x1x2048xi32, #tpu.memory_space<vmem>>, %arg4: memref<2x32x256xf32, #tpu.memory_space<vmem>>, %arg5: memref<2x1x256xi32, #tpu.memory_space<vmem>>, %arg6: memref<1x1xf32, #tpu.memory_space<vmem>>) attributes {dimension_semantics = [], scalar_prefetch = 0 : i64, scratch_operands = 0 : i64, tpu.core_type = #tpu.core_type<tc>} {
    %get3A = arith.constant 0 : index
    %get3A_0 = arith.constant 0 : index
    %get3A_1 = arith.constant 0 : index
    %get3A_2 = vector.load %arg0[%get3A, %get3A_0, %get3A_1] : memref<2x32x2048xf32, #tpu.memory_space<vmem>>, vector<1x32x2048xf32>
    %get3A_3 = vector.shape_cast %get3A_2 : vector<1x32x2048xf32> to vector<32x2048xf32>
    %get3A_4 = arith.constant 0 : index
    %get3A_5 = arith.constant 0 : index
    %get3A_6 = arith.constant 0 : index
    %get3A_7 = vector.load %arg1[%get3A_4, %get3A_5, %get3A_6] : memref<2x32x256xf32, #tpu.memory_space<vmem>>, vector<1x32x256xf32>
    %get3A_8 = vector.shape_cast %get3A_7 : vector<1x32x256xf32> to vector<32x256xf32>
    %get3A_9 = arith.constant 0 : index
    %get3A_10 = arith.constant 0 : index
    %get3A_11 = arith.constant 0 : index
    %get3A_12 = vector.load %arg2[%get3A_9, %get3A_10, %get3A_11] : memref<2x32x256xf32, #tpu.memory_space<vmem>>, vector<1x32x256xf32>
    %get3A_13 = vector.shape_cast %get3A_12 : vector<1x32x256xf32> to vector<32x256xf32>
    %get3A_14 = arith.constant 0 : index
    %get3A_15 = arith.constant 0 : index
    %get3A_16 = arith.constant 0 : index
    %get3A_17 = vector.load %arg3[%get3A_14, %get3A_15, %get3A_16] : memref<2x1x2048xi32, #tpu.memory_space<vmem>>, vector<1x1x2048xi32>
    %get3A_18 = vector.shape_cast %get3A_17 : vector<1x1x2048xi32> to vector<1x2048xi32>
    %slice3A = vector.extract_strided_slice %get3A_8 {offsets = [0, 0], sizes = [1, 256], strides = [1, 1]} : vector<32x256xf32> to vector<1x256xf32>
    %concatenate3A = tpu.concatenate %slice3A, %slice3A, %slice3A, %slice3A, %slice3A, %slice3A, %slice3A, %slice3A in 1 : vector<1x256xf32>, vector<1x256xf32>, vector<1x256xf32>, vector<1x256xf32>, vector<1x256xf32>, vector<1x256xf32>, vector<1x256xf32>, vector<1x256xf32> -> vector<1x2048xf32>
    %slice3A_19 = vector.extract_strided_slice %get3A_3 {offsets = [0, 0], sizes = [1, 2048], strides = [1, 1]} : vector<32x2048xf32> to vector<1x2048xf32>
    %sub3A = arith.subf %slice3A_19, %concatenate3A : vector<1x2048xf32>
    %mul3A = arith.mulf %sub3A, %sub3A : vector<1x2048xf32>
    %slice3A_20 = vector.extract_strided_slice %get3A_8 {offsets = [1, 0], sizes = [1, 256], strides = [1, 1]} : vector<32x256xf32> to vector<1x256xf32>
    %concatenate3A_21 = tpu.concatenate %slice3A_20, %slice3A_20, %slice3A_20, %slice3A_20, %slice3A_20, %slice3A_20, %slice3A_20, %slice3A_20 in 1 : vector<1x256xf32>, vector<1x256xf32>, vector<1x256xf32>, vector<1x256xf32>, vector<1x256xf32>, vector<1x256xf32>, vector<1x256xf32>, vector<1x256xf32> -> vector<1x2048xf32>
    %slice3A_22 = vector.extract_strided_slice %get3A_3 {offsets = [1, 0], sizes = [1, 2048], strides = [1, 1]} : vector<32x2048xf32> to vector<1x2048xf32>
    %sub3A_23 = arith.subf %slice3A_22, %concatenate3A_21 : vector<1x2048xf32>
    %mul3A_24 = arith.mulf %sub3A_23, %sub3A_23 : vector<1x2048xf32>
    %add3A = arith.addf %mul3A, %mul3A_24 : vector<1x2048xf32>
    %slice3A_25 = vector.extract_strided_slice %get3A_8 {offsets = [2, 0], sizes = [1, 256], strides = [1, 1]} : vector<32x256xf32> to vector<1x256xf32>
    %concatenate3A_26 = tpu.concatenate %slice3A_25, %slice3A_25, %slice3A_25, %slice3A_25, %slice3A_25, %slice3A_25, %slice3A_25, %slice3A_25 in 1 : vector<1x256xf32>, vector<1x256xf32>, vector<1x256xf32>, vector<1x256xf32>, vector<1x256xf32>, vector<1x256xf32>, vector<1x256xf32>, vector<1x256xf32> -> vector<1x2048xf32>
    %slice3A_27 = vector.extract_strided_slice %get3A_3 {offsets = [2, 0], sizes = [1, 2048], strides = [1, 1]} : vector<32x2048xf32> to vector<1x2048xf32>
    %sub3A_28 = arith.subf %slice3A_27, %concatenate3A_26 : vector<1x2048xf32>
    %mul3A_29 = arith.mulf %sub3A_28, %sub3A_28 : vector<1x2048xf32>
    %add3A_30 = arith.addf %add3A, %mul3A_29 : vector<1x2048xf32>
    %slice3A_31 = vector.extract_strided_slice %get3A_8 {offsets = [3, 0], sizes = [1, 256], strides = [1, 1]} : vector<32x256xf32> to vector<1x256xf32>
    %concatenate3A_32 = tpu.concatenate %slice3A_31, %slice3A_31, %slice3A_31, %slice3A_31, %slice3A_31, %slice3A_31, %slice3A_31, %slice3A_31 in 1 : vector<1x256xf32>, vector<1x256xf32>, vector<1x256xf32>, vector<1x256xf32>, vector<1x256xf32>, vector<1x256xf32>, vector<1x256xf32>, vector<1x256xf32> -> vector<1x2048xf32>
    %slice3A_33 = vector.extract_strided_slice %get3A_3 {offsets = [3, 0], sizes = [1, 2048], strides = [1, 1]} : vector<32x2048xf32> to vector<1x2048xf32>
    %sub3A_34 = arith.subf %slice3A_33, %concatenate3A_32 : vector<1x2048xf32>
    %mul3A_35 = arith.mulf %sub3A_34, %sub3A_34 : vector<1x2048xf32>
    %add3A_36 = arith.addf %add3A_30, %mul3A_35 : vector<1x2048xf32>
    %slice3A_37 = vector.extract_strided_slice %get3A_8 {offsets = [4, 0], sizes = [1, 256], strides = [1, 1]} : vector<32x256xf32> to vector<1x256xf32>
    %concatenate3A_38 = tpu.concatenate %slice3A_37, %slice3A_37, %slice3A_37, %slice3A_37, %slice3A_37, %slice3A_37, %slice3A_37, %slice3A_37 in 1 : vector<1x256xf32>, vector<1x256xf32>, vector<1x256xf32>, vector<1x256xf32>, vector<1x256xf32>, vector<1x256xf32>, vector<1x256xf32>, vector<1x256xf32> -> vector<1x2048xf32>
    %slice3A_39 = vector.extract_strided_slice %get3A_3 {offsets = [4, 0], sizes = [1, 2048], strides = [1, 1]} : vector<32x2048xf32> to vector<1x2048xf32>
    %sub3A_40 = arith.subf %slice3A_39, %concatenate3A_38 : vector<1x2048xf32>
    %mul3A_41 = arith.mulf %sub3A_40, %sub3A_40 : vector<1x2048xf32>
    %add3A_42 = arith.addf %add3A_36, %mul3A_41 : vector<1x2048xf32>
    %slice3A_43 = vector.extract_strided_slice %get3A_8 {offsets = [5, 0], sizes = [1, 256], strides = [1, 1]} : vector<32x256xf32> to vector<1x256xf32>
    %concatenate3A_44 = tpu.concatenate %slice3A_43, %slice3A_43, %slice3A_43, %slice3A_43, %slice3A_43, %slice3A_43, %slice3A_43, %slice3A_43 in 1 : vector<1x256xf32>, vector<1x256xf32>, vector<1x256xf32>, vector<1x256xf32>, vector<1x256xf32>, vector<1x256xf32>, vector<1x256xf32>, vector<1x256xf32> -> vector<1x2048xf32>
    %slice3A_45 = vector.extract_strided_slice %get3A_3 {offsets = [5, 0], sizes = [1, 2048], strides = [1, 1]} : vector<32x2048xf32> to vector<1x2048xf32>
    %sub3A_46 = arith.subf %slice3A_45, %concatenate3A_44 : vector<1x2048xf32>
    %mul3A_47 = arith.mulf %sub3A_46, %sub3A_46 : vector<1x2048xf32>
    %add3A_48 = arith.addf %add3A_42, %mul3A_47 : vector<1x2048xf32>
    %slice3A_49 = vector.extract_strided_slice %get3A_8 {offsets = [6, 0], sizes = [1, 256], strides = [1, 1]} : vector<32x256xf32> to vector<1x256xf32>
    %concatenate3A_50 = tpu.concatenate %slice3A_49, %slice3A_49, %slice3A_49, %slice3A_49, %slice3A_49, %slice3A_49, %slice3A_49, %slice3A_49 in 1 : vector<1x256xf32>, vector<1x256xf32>, vector<1x256xf32>, vector<1x256xf32>, vector<1x256xf32>, vector<1x256xf32>, vector<1x256xf32>, vector<1x256xf32> -> vector<1x2048xf32>
    %slice3A_51 = vector.extract_strided_slice %get3A_3 {offsets = [6, 0], sizes = [1, 2048], strides = [1, 1]} : vector<32x2048xf32> to vector<1x2048xf32>
    %sub3A_52 = arith.subf %slice3A_51, %concatenate3A_50 : vector<1x2048xf32>
    %mul3A_53 = arith.mulf %sub3A_52, %sub3A_52 : vector<1x2048xf32>
    %add3A_54 = arith.addf %add3A_48, %mul3A_53 : vector<1x2048xf32>
    %slice3A_55 = vector.extract_strided_slice %get3A_8 {offsets = [7, 0], sizes = [1, 256], strides = [1, 1]} : vector<32x256xf32> to vector<1x256xf32>
    %concatenate3A_56 = tpu.concatenate %slice3A_55, %slice3A_55, %slice3A_55, %slice3A_55, %slice3A_55, %slice3A_55, %slice3A_55, %slice3A_55 in 1 : vector<1x256xf32>, vector<1x256xf32>, vector<1x256xf32>, vector<1x256xf32>, vector<1x256xf32>, vector<1x256xf32>, vector<1x256xf32>, vector<1x256xf32> -> vector<1x2048xf32>
    %slice3A_57 = vector.extract_strided_slice %get3A_3 {offsets = [7, 0], sizes = [1, 2048], strides = [1, 1]} : vector<32x2048xf32> to vector<1x2048xf32>
    %sub3A_58 = arith.subf %slice3A_57, %concatenate3A_56 : vector<1x2048xf32>
    %mul3A_59 = arith.mulf %sub3A_58, %sub3A_58 : vector<1x2048xf32>
    %add3A_60 = arith.addf %add3A_54, %mul3A_59 : vector<1x2048xf32>
    %slice3A_61 = vector.extract_strided_slice %get3A_8 {offsets = [8, 0], sizes = [1, 256], strides = [1, 1]} : vector<32x256xf32> to vector<1x256xf32>
    %concatenate3A_62 = tpu.concatenate %slice3A_61, %slice3A_61, %slice3A_61, %slice3A_61, %slice3A_61, %slice3A_61, %slice3A_61, %slice3A_61 in 1 : vector<1x256xf32>, vector<1x256xf32>, vector<1x256xf32>, vector<1x256xf32>, vector<1x256xf32>, vector<1x256xf32>, vector<1x256xf32>, vector<1x256xf32> -> vector<1x2048xf32>
    %slice3A_63 = vector.extract_strided_slice %get3A_3 {offsets = [8, 0], sizes = [1, 2048], strides = [1, 1]} : vector<32x2048xf32> to vector<1x2048xf32>
    %sub3A_64 = arith.subf %slice3A_63, %concatenate3A_62 : vector<1x2048xf32>
    %mul3A_65 = arith.mulf %sub3A_64, %sub3A_64 : vector<1x2048xf32>
    %add3A_66 = arith.addf %add3A_60, %mul3A_65 : vector<1x2048xf32>
    %slice3A_67 = vector.extract_strided_slice %get3A_8 {offsets = [9, 0], sizes = [1, 256], strides = [1, 1]} : vector<32x256xf32> to vector<1x256xf32>
    %concatenate3A_68 = tpu.concatenate %slice3A_67, %slice3A_67, %slice3A_67, %slice3A_67, %slice3A_67, %slice3A_67, %slice3A_67, %slice3A_67 in 1 : vector<1x256xf32>, vector<1x256xf32>, vector<1x256xf32>, vector<1x256xf32>, vector<1x256xf32>, vector<1x256xf32>, vector<1x256xf32>, vector<1x256xf32> -> vector<1x2048xf32>
    %slice3A_69 = vector.extract_strided_slice %get3A_3 {offsets = [9, 0], sizes = [1, 2048], strides = [1, 1]} : vector<32x2048xf32> to vector<1x2048xf32>
    %sub3A_70 = arith.subf %slice3A_69, %concatenate3A_68 : vector<1x2048xf32>
    %mul3A_71 = arith.mulf %sub3A_70, %sub3A_70 : vector<1x2048xf32>
    %add3A_72 = arith.addf %add3A_66, %mul3A_71 : vector<1x2048xf32>
    %slice3A_73 = vector.extract_strided_slice %get3A_8 {offsets = [10, 0], sizes = [1, 256], strides = [1, 1]} : vector<32x256xf32> to vector<1x256xf32>
    %concatenate3A_74 = tpu.concatenate %slice3A_73, %slice3A_73, %slice3A_73, %slice3A_73, %slice3A_73, %slice3A_73, %slice3A_73, %slice3A_73 in 1 : vector<1x256xf32>, vector<1x256xf32>, vector<1x256xf32>, vector<1x256xf32>, vector<1x256xf32>, vector<1x256xf32>, vector<1x256xf32>, vector<1x256xf32> -> vector<1x2048xf32>
    %slice3A_75 = vector.extract_strided_slice %get3A_3 {offsets = [10, 0], sizes = [1, 2048], strides = [1, 1]} : vector<32x2048xf32> to vector<1x2048xf32>
    %sub3A_76 = arith.subf %slice3A_75, %concatenate3A_74 : vector<1x2048xf32>
    %mul3A_77 = arith.mulf %sub3A_76, %sub3A_76 : vector<1x2048xf32>
    %add3A_78 = arith.addf %add3A_72, %mul3A_77 : vector<1x2048xf32>
    %slice3A_79 = vector.extract_strided_slice %get3A_8 {offsets = [11, 0], sizes = [1, 256], strides = [1, 1]} : vector<32x256xf32> to vector<1x256xf32>
    %concatenate3A_80 = tpu.concatenate %slice3A_79, %slice3A_79, %slice3A_79, %slice3A_79, %slice3A_79, %slice3A_79, %slice3A_79, %slice3A_79 in 1 : vector<1x256xf32>, vector<1x256xf32>, vector<1x256xf32>, vector<1x256xf32>, vector<1x256xf32>, vector<1x256xf32>, vector<1x256xf32>, vector<1x256xf32> -> vector<1x2048xf32>
    %slice3A_81 = vector.extract_strided_slice %get3A_3 {offsets = [11, 0], sizes = [1, 2048], strides = [1, 1]} : vector<32x2048xf32> to vector<1x2048xf32>
    %sub3A_82 = arith.subf %slice3A_81, %concatenate3A_80 : vector<1x2048xf32>
    %mul3A_83 = arith.mulf %sub3A_82, %sub3A_82 : vector<1x2048xf32>
    %add3A_84 = arith.addf %add3A_78, %mul3A_83 : vector<1x2048xf32>
    %slice3A_85 = vector.extract_strided_slice %get3A_8 {offsets = [12, 0], sizes = [1, 256], strides = [1, 1]} : vector<32x256xf32> to vector<1x256xf32>
    %concatenate3A_86 = tpu.concatenate %slice3A_85, %slice3A_85, %slice3A_85, %slice3A_85, %slice3A_85, %slice3A_85, %slice3A_85, %slice3A_85 in 1 : vector<1x256xf32>, vector<1x256xf32>, vector<1x256xf32>, vector<1x256xf32>, vector<1x256xf32>, vector<1x256xf32>, vector<1x256xf32>, vector<1x256xf32> -> vector<1x2048xf32>
    %slice3A_87 = vector.extract_strided_slice %get3A_3 {offsets = [12, 0], sizes = [1, 2048], strides = [1, 1]} : vector<32x2048xf32> to vector<1x2048xf32>
    %sub3A_88 = arith.subf %slice3A_87, %concatenate3A_86 : vector<1x2048xf32>
    %mul3A_89 = arith.mulf %sub3A_88, %sub3A_88 : vector<1x2048xf32>
    %add3A_90 = arith.addf %add3A_84, %mul3A_89 : vector<1x2048xf32>
    %slice3A_91 = vector.extract_strided_slice %get3A_8 {offsets = [13, 0], sizes = [1, 256], strides = [1, 1]} : vector<32x256xf32> to vector<1x256xf32>
    %concatenate3A_92 = tpu.concatenate %slice3A_91, %slice3A_91, %slice3A_91, %slice3A_91, %slice3A_91, %slice3A_91, %slice3A_91, %slice3A_91 in 1 : vector<1x256xf32>, vector<1x256xf32>, vector<1x256xf32>, vector<1x256xf32>, vector<1x256xf32>, vector<1x256xf32>, vector<1x256xf32>, vector<1x256xf32> -> vector<1x2048xf32>
    %slice3A_93 = vector.extract_strided_slice %get3A_3 {offsets = [13, 0], sizes = [1, 2048], strides = [1, 1]} : vector<32x2048xf32> to vector<1x2048xf32>
    %sub3A_94 = arith.subf %slice3A_93, %concatenate3A_92 : vector<1x2048xf32>
    %mul3A_95 = arith.mulf %sub3A_94, %sub3A_94 : vector<1x2048xf32>
    %add3A_96 = arith.addf %add3A_90, %mul3A_95 : vector<1x2048xf32>
    %slice3A_97 = vector.extract_strided_slice %get3A_8 {offsets = [14, 0], sizes = [1, 256], strides = [1, 1]} : vector<32x256xf32> to vector<1x256xf32>
    %concatenate3A_98 = tpu.concatenate %slice3A_97, %slice3A_97, %slice3A_97, %slice3A_97, %slice3A_97, %slice3A_97, %slice3A_97, %slice3A_97 in 1 : vector<1x256xf32>, vector<1x256xf32>, vector<1x256xf32>, vector<1x256xf32>, vector<1x256xf32>, vector<1x256xf32>, vector<1x256xf32>, vector<1x256xf32> -> vector<1x2048xf32>
    %slice3A_99 = vector.extract_strided_slice %get3A_3 {offsets = [14, 0], sizes = [1, 2048], strides = [1, 1]} : vector<32x2048xf32> to vector<1x2048xf32>
    %sub3A_100 = arith.subf %slice3A_99, %concatenate3A_98 : vector<1x2048xf32>
    %mul3A_101 = arith.mulf %sub3A_100, %sub3A_100 : vector<1x2048xf32>
    %add3A_102 = arith.addf %add3A_96, %mul3A_101 : vector<1x2048xf32>
    %slice3A_103 = vector.extract_strided_slice %get3A_8 {offsets = [15, 0], sizes = [1, 256], strides = [1, 1]} : vector<32x256xf32> to vector<1x256xf32>
    %concatenate3A_104 = tpu.concatenate %slice3A_103, %slice3A_103, %slice3A_103, %slice3A_103, %slice3A_103, %slice3A_103, %slice3A_103, %slice3A_103 in 1 : vector<1x256xf32>, vector<1x256xf32>, vector<1x256xf32>, vector<1x256xf32>, vector<1x256xf32>, vector<1x256xf32>, vector<1x256xf32>, vector<1x256xf32> -> vector<1x2048xf32>
    %slice3A_105 = vector.extract_strided_slice %get3A_3 {offsets = [15, 0], sizes = [1, 2048], strides = [1, 1]} : vector<32x2048xf32> to vector<1x2048xf32>
    %sub3A_106 = arith.subf %slice3A_105, %concatenate3A_104 : vector<1x2048xf32>
    %mul3A_107 = arith.mulf %sub3A_106, %sub3A_106 : vector<1x2048xf32>
    %add3A_108 = arith.addf %add3A_102, %mul3A_107 : vector<1x2048xf32>
    %slice3A_109 = vector.extract_strided_slice %get3A_8 {offsets = [16, 0], sizes = [1, 256], strides = [1, 1]} : vector<32x256xf32> to vector<1x256xf32>
    %concatenate3A_110 = tpu.concatenate %slice3A_109, %slice3A_109, %slice3A_109, %slice3A_109, %slice3A_109, %slice3A_109, %slice3A_109, %slice3A_109 in 1 : vector<1x256xf32>, vector<1x256xf32>, vector<1x256xf32>, vector<1x256xf32>, vector<1x256xf32>, vector<1x256xf32>, vector<1x256xf32>, vector<1x256xf32> -> vector<1x2048xf32>
    %slice3A_111 = vector.extract_strided_slice %get3A_3 {offsets = [16, 0], sizes = [1, 2048], strides = [1, 1]} : vector<32x2048xf32> to vector<1x2048xf32>
    %sub3A_112 = arith.subf %slice3A_111, %concatenate3A_110 : vector<1x2048xf32>
    %mul3A_113 = arith.mulf %sub3A_112, %sub3A_112 : vector<1x2048xf32>
    %add3A_114 = arith.addf %add3A_108, %mul3A_113 : vector<1x2048xf32>
    %slice3A_115 = vector.extract_strided_slice %get3A_8 {offsets = [17, 0], sizes = [1, 256], strides = [1, 1]} : vector<32x256xf32> to vector<1x256xf32>
    %concatenate3A_116 = tpu.concatenate %slice3A_115, %slice3A_115, %slice3A_115, %slice3A_115, %slice3A_115, %slice3A_115, %slice3A_115, %slice3A_115 in 1 : vector<1x256xf32>, vector<1x256xf32>, vector<1x256xf32>, vector<1x256xf32>, vector<1x256xf32>, vector<1x256xf32>, vector<1x256xf32>, vector<1x256xf32> -> vector<1x2048xf32>
    %slice3A_117 = vector.extract_strided_slice %get3A_3 {offsets = [17, 0], sizes = [1, 2048], strides = [1, 1]} : vector<32x2048xf32> to vector<1x2048xf32>
    %sub3A_118 = arith.subf %slice3A_117, %concatenate3A_116 : vector<1x2048xf32>
    %mul3A_119 = arith.mulf %sub3A_118, %sub3A_118 : vector<1x2048xf32>
    %add3A_120 = arith.addf %add3A_114, %mul3A_119 : vector<1x2048xf32>
    %slice3A_121 = vector.extract_strided_slice %get3A_8 {offsets = [18, 0], sizes = [1, 256], strides = [1, 1]} : vector<32x256xf32> to vector<1x256xf32>
    %concatenate3A_122 = tpu.concatenate %slice3A_121, %slice3A_121, %slice3A_121, %slice3A_121, %slice3A_121, %slice3A_121, %slice3A_121, %slice3A_121 in 1 : vector<1x256xf32>, vector<1x256xf32>, vector<1x256xf32>, vector<1x256xf32>, vector<1x256xf32>, vector<1x256xf32>, vector<1x256xf32>, vector<1x256xf32> -> vector<1x2048xf32>
    %slice3A_123 = vector.extract_strided_slice %get3A_3 {offsets = [18, 0], sizes = [1, 2048], strides = [1, 1]} : vector<32x2048xf32> to vector<1x2048xf32>
    %sub3A_124 = arith.subf %slice3A_123, %concatenate3A_122 : vector<1x2048xf32>
    %mul3A_125 = arith.mulf %sub3A_124, %sub3A_124 : vector<1x2048xf32>
    %add3A_126 = arith.addf %add3A_120, %mul3A_125 : vector<1x2048xf32>
    %slice3A_127 = vector.extract_strided_slice %get3A_8 {offsets = [19, 0], sizes = [1, 256], strides = [1, 1]} : vector<32x256xf32> to vector<1x256xf32>
    %concatenate3A_128 = tpu.concatenate %slice3A_127, %slice3A_127, %slice3A_127, %slice3A_127, %slice3A_127, %slice3A_127, %slice3A_127, %slice3A_127 in 1 : vector<1x256xf32>, vector<1x256xf32>, vector<1x256xf32>, vector<1x256xf32>, vector<1x256xf32>, vector<1x256xf32>, vector<1x256xf32>, vector<1x256xf32> -> vector<1x2048xf32>
    %slice3A_129 = vector.extract_strided_slice %get3A_3 {offsets = [19, 0], sizes = [1, 2048], strides = [1, 1]} : vector<32x2048xf32> to vector<1x2048xf32>
    %sub3A_130 = arith.subf %slice3A_129, %concatenate3A_128 : vector<1x2048xf32>
    %mul3A_131 = arith.mulf %sub3A_130, %sub3A_130 : vector<1x2048xf32>
    %add3A_132 = arith.addf %add3A_126, %mul3A_131 : vector<1x2048xf32>
    %slice3A_133 = vector.extract_strided_slice %get3A_8 {offsets = [20, 0], sizes = [1, 256], strides = [1, 1]} : vector<32x256xf32> to vector<1x256xf32>
    %concatenate3A_134 = tpu.concatenate %slice3A_133, %slice3A_133, %slice3A_133, %slice3A_133, %slice3A_133, %slice3A_133, %slice3A_133, %slice3A_133 in 1 : vector<1x256xf32>, vector<1x256xf32>, vector<1x256xf32>, vector<1x256xf32>, vector<1x256xf32>, vector<1x256xf32>, vector<1x256xf32>, vector<1x256xf32> -> vector<1x2048xf32>
    %slice3A_135 = vector.extract_strided_slice %get3A_3 {offsets = [20, 0], sizes = [1, 2048], strides = [1, 1]} : vector<32x2048xf32> to vector<1x2048xf32>
    %sub3A_136 = arith.subf %slice3A_135, %concatenate3A_134 : vector<1x2048xf32>
    %mul3A_137 = arith.mulf %sub3A_136, %sub3A_136 : vector<1x2048xf32>
    %add3A_138 = arith.addf %add3A_132, %mul3A_137 : vector<1x2048xf32>
    %slice3A_139 = vector.extract_strided_slice %get3A_8 {offsets = [21, 0], sizes = [1, 256], strides = [1, 1]} : vector<32x256xf32> to vector<1x256xf32>
    %concatenate3A_140 = tpu.concatenate %slice3A_139, %slice3A_139, %slice3A_139, %slice3A_139, %slice3A_139, %slice3A_139, %slice3A_139, %slice3A_139 in 1 : vector<1x256xf32>, vector<1x256xf32>, vector<1x256xf32>, vector<1x256xf32>, vector<1x256xf32>, vector<1x256xf32>, vector<1x256xf32>, vector<1x256xf32> -> vector<1x2048xf32>
    %slice3A_141 = vector.extract_strided_slice %get3A_3 {offsets = [21, 0], sizes = [1, 2048], strides = [1, 1]} : vector<32x2048xf32> to vector<1x2048xf32>
    %sub3A_142 = arith.subf %slice3A_141, %concatenate3A_140 : vector<1x2048xf32>
    %mul3A_143 = arith.mulf %sub3A_142, %sub3A_142 : vector<1x2048xf32>
    %add3A_144 = arith.addf %add3A_138, %mul3A_143 : vector<1x2048xf32>
    %slice3A_145 = vector.extract_strided_slice %get3A_8 {offsets = [22, 0], sizes = [1, 256], strides = [1, 1]} : vector<32x256xf32> to vector<1x256xf32>
    %concatenate3A_146 = tpu.concatenate %slice3A_145, %slice3A_145, %slice3A_145, %slice3A_145, %slice3A_145, %slice3A_145, %slice3A_145, %slice3A_145 in 1 : vector<1x256xf32>, vector<1x256xf32>, vector<1x256xf32>, vector<1x256xf32>, vector<1x256xf32>, vector<1x256xf32>, vector<1x256xf32>, vector<1x256xf32> -> vector<1x2048xf32>
    %slice3A_147 = vector.extract_strided_slice %get3A_3 {offsets = [22, 0], sizes = [1, 2048], strides = [1, 1]} : vector<32x2048xf32> to vector<1x2048xf32>
    %sub3A_148 = arith.subf %slice3A_147, %concatenate3A_146 : vector<1x2048xf32>
    %mul3A_149 = arith.mulf %sub3A_148, %sub3A_148 : vector<1x2048xf32>
    %add3A_150 = arith.addf %add3A_144, %mul3A_149 : vector<1x2048xf32>
    %slice3A_151 = vector.extract_strided_slice %get3A_8 {offsets = [23, 0], sizes = [1, 256], strides = [1, 1]} : vector<32x256xf32> to vector<1x256xf32>
    %concatenate3A_152 = tpu.concatenate %slice3A_151, %slice3A_151, %slice3A_151, %slice3A_151, %slice3A_151, %slice3A_151, %slice3A_151, %slice3A_151 in 1 : vector<1x256xf32>, vector<1x256xf32>, vector<1x256xf32>, vector<1x256xf32>, vector<1x256xf32>, vector<1x256xf32>, vector<1x256xf32>, vector<1x256xf32> -> vector<1x2048xf32>
    %slice3A_153 = vector.extract_strided_slice %get3A_3 {offsets = [23, 0], sizes = [1, 2048], strides = [1, 1]} : vector<32x2048xf32> to vector<1x2048xf32>
    %sub3A_154 = arith.subf %slice3A_153, %concatenate3A_152 : vector<1x2048xf32>
    %mul3A_155 = arith.mulf %sub3A_154, %sub3A_154 : vector<1x2048xf32>
    %add3A_156 = arith.addf %add3A_150, %mul3A_155 : vector<1x2048xf32>
    %slice3A_157 = vector.extract_strided_slice %get3A_8 {offsets = [24, 0], sizes = [1, 256], strides = [1, 1]} : vector<32x256xf32> to vector<1x256xf32>
    %concatenate3A_158 = tpu.concatenate %slice3A_157, %slice3A_157, %slice3A_157, %slice3A_157, %slice3A_157, %slice3A_157, %slice3A_157, %slice3A_157 in 1 : vector<1x256xf32>, vector<1x256xf32>, vector<1x256xf32>, vector<1x256xf32>, vector<1x256xf32>, vector<1x256xf32>, vector<1x256xf32>, vector<1x256xf32> -> vector<1x2048xf32>
    %slice3A_159 = vector.extract_strided_slice %get3A_3 {offsets = [24, 0], sizes = [1, 2048], strides = [1, 1]} : vector<32x2048xf32> to vector<1x2048xf32>
    %sub3A_160 = arith.subf %slice3A_159, %concatenate3A_158 : vector<1x2048xf32>
    %mul3A_161 = arith.mulf %sub3A_160, %sub3A_160 : vector<1x2048xf32>
    %add3A_162 = arith.addf %add3A_156, %mul3A_161 : vector<1x2048xf32>
    %slice3A_163 = vector.extract_strided_slice %get3A_8 {offsets = [25, 0], sizes = [1, 256], strides = [1, 1]} : vector<32x256xf32> to vector<1x256xf32>
    %concatenate3A_164 = tpu.concatenate %slice3A_163, %slice3A_163, %slice3A_163, %slice3A_163, %slice3A_163, %slice3A_163, %slice3A_163, %slice3A_163 in 1 : vector<1x256xf32>, vector<1x256xf32>, vector<1x256xf32>, vector<1x256xf32>, vector<1x256xf32>, vector<1x256xf32>, vector<1x256xf32>, vector<1x256xf32> -> vector<1x2048xf32>
    %slice3A_165 = vector.extract_strided_slice %get3A_3 {offsets = [25, 0], sizes = [1, 2048], strides = [1, 1]} : vector<32x2048xf32> to vector<1x2048xf32>
    %sub3A_166 = arith.subf %slice3A_165, %concatenate3A_164 : vector<1x2048xf32>
    %mul3A_167 = arith.mulf %sub3A_166, %sub3A_166 : vector<1x2048xf32>
    %add3A_168 = arith.addf %add3A_162, %mul3A_167 : vector<1x2048xf32>
    %slice3A_169 = vector.extract_strided_slice %get3A_8 {offsets = [26, 0], sizes = [1, 256], strides = [1, 1]} : vector<32x256xf32> to vector<1x256xf32>
    %concatenate3A_170 = tpu.concatenate %slice3A_169, %slice3A_169, %slice3A_169, %slice3A_169, %slice3A_169, %slice3A_169, %slice3A_169, %slice3A_169 in 1 : vector<1x256xf32>, vector<1x256xf32>, vector<1x256xf32>, vector<1x256xf32>, vector<1x256xf32>, vector<1x256xf32>, vector<1x256xf32>, vector<1x256xf32> -> vector<1x2048xf32>
    %slice3A_171 = vector.extract_strided_slice %get3A_3 {offsets = [26, 0], sizes = [1, 2048], strides = [1, 1]} : vector<32x2048xf32> to vector<1x2048xf32>
    %sub3A_172 = arith.subf %slice3A_171, %concatenate3A_170 : vector<1x2048xf32>
    %mul3A_173 = arith.mulf %sub3A_172, %sub3A_172 : vector<1x2048xf32>
    %add3A_174 = arith.addf %add3A_168, %mul3A_173 : vector<1x2048xf32>
    %slice3A_175 = vector.extract_strided_slice %get3A_8 {offsets = [27, 0], sizes = [1, 256], strides = [1, 1]} : vector<32x256xf32> to vector<1x256xf32>
    %concatenate3A_176 = tpu.concatenate %slice3A_175, %slice3A_175, %slice3A_175, %slice3A_175, %slice3A_175, %slice3A_175, %slice3A_175, %slice3A_175 in 1 : vector<1x256xf32>, vector<1x256xf32>, vector<1x256xf32>, vector<1x256xf32>, vector<1x256xf32>, vector<1x256xf32>, vector<1x256xf32>, vector<1x256xf32> -> vector<1x2048xf32>
    %slice3A_177 = vector.extract_strided_slice %get3A_3 {offsets = [27, 0], sizes = [1, 2048], strides = [1, 1]} : vector<32x2048xf32> to vector<1x2048xf32>
    %sub3A_178 = arith.subf %slice3A_177, %concatenate3A_176 : vector<1x2048xf32>
    %mul3A_179 = arith.mulf %sub3A_178, %sub3A_178 : vector<1x2048xf32>
    %add3A_180 = arith.addf %add3A_174, %mul3A_179 : vector<1x2048xf32>
    %slice3A_181 = vector.extract_strided_slice %get3A_8 {offsets = [28, 0], sizes = [1, 256], strides = [1, 1]} : vector<32x256xf32> to vector<1x256xf32>
    %concatenate3A_182 = tpu.concatenate %slice3A_181, %slice3A_181, %slice3A_181, %slice3A_181, %slice3A_181, %slice3A_181, %slice3A_181, %slice3A_181 in 1 : vector<1x256xf32>, vector<1x256xf32>, vector<1x256xf32>, vector<1x256xf32>, vector<1x256xf32>, vector<1x256xf32>, vector<1x256xf32>, vector<1x256xf32> -> vector<1x2048xf32>
    %slice3A_183 = vector.extract_strided_slice %get3A_3 {offsets = [28, 0], sizes = [1, 2048], strides = [1, 1]} : vector<32x2048xf32> to vector<1x2048xf32>
    %sub3A_184 = arith.subf %slice3A_183, %concatenate3A_182 : vector<1x2048xf32>
    %mul3A_185 = arith.mulf %sub3A_184, %sub3A_184 : vector<1x2048xf32>
    %add3A_186 = arith.addf %add3A_180, %mul3A_185 : vector<1x2048xf32>
    %slice3A_187 = vector.extract_strided_slice %get3A_8 {offsets = [29, 0], sizes = [1, 256], strides = [1, 1]} : vector<32x256xf32> to vector<1x256xf32>
    %concatenate3A_188 = tpu.concatenate %slice3A_187, %slice3A_187, %slice3A_187, %slice3A_187, %slice3A_187, %slice3A_187, %slice3A_187, %slice3A_187 in 1 : vector<1x256xf32>, vector<1x256xf32>, vector<1x256xf32>, vector<1x256xf32>, vector<1x256xf32>, vector<1x256xf32>, vector<1x256xf32>, vector<1x256xf32> -> vector<1x2048xf32>
    %slice3A_189 = vector.extract_strided_slice %get3A_3 {offsets = [29, 0], sizes = [1, 2048], strides = [1, 1]} : vector<32x2048xf32> to vector<1x2048xf32>
    %sub3A_190 = arith.subf %slice3A_189, %concatenate3A_188 : vector<1x2048xf32>
    %mul3A_191 = arith.mulf %sub3A_190, %sub3A_190 : vector<1x2048xf32>
    %add3A_192 = arith.addf %add3A_186, %mul3A_191 : vector<1x2048xf32>
    %slice3A_193 = vector.extract_strided_slice %get3A_8 {offsets = [30, 0], sizes = [1, 256], strides = [1, 1]} : vector<32x256xf32> to vector<1x256xf32>
    %concatenate3A_194 = tpu.concatenate %slice3A_193, %slice3A_193, %slice3A_193, %slice3A_193, %slice3A_193, %slice3A_193, %slice3A_193, %slice3A_193 in 1 : vector<1x256xf32>, vector<1x256xf32>, vector<1x256xf32>, vector<1x256xf32>, vector<1x256xf32>, vector<1x256xf32>, vector<1x256xf32>, vector<1x256xf32> -> vector<1x2048xf32>
    %slice3A_195 = vector.extract_strided_slice %get3A_3 {offsets = [30, 0], sizes = [1, 2048], strides = [1, 1]} : vector<32x2048xf32> to vector<1x2048xf32>
    %sub3A_196 = arith.subf %slice3A_195, %concatenate3A_194 : vector<1x2048xf32>
    %mul3A_197 = arith.mulf %sub3A_196, %sub3A_196 : vector<1x2048xf32>
    %add3A_198 = arith.addf %add3A_192, %mul3A_197 : vector<1x2048xf32>
    %slice3A_199 = vector.extract_strided_slice %get3A_8 {offsets = [31, 0], sizes = [1, 256], strides = [1, 1]} : vector<32x256xf32> to vector<1x256xf32>
    %concatenate3A_200 = tpu.concatenate %slice3A_199, %slice3A_199, %slice3A_199, %slice3A_199, %slice3A_199, %slice3A_199, %slice3A_199, %slice3A_199 in 1 : vector<1x256xf32>, vector<1x256xf32>, vector<1x256xf32>, vector<1x256xf32>, vector<1x256xf32>, vector<1x256xf32>, vector<1x256xf32>, vector<1x256xf32> -> vector<1x2048xf32>
    %slice3A_201 = vector.extract_strided_slice %get3A_3 {offsets = [31, 0], sizes = [1, 2048], strides = [1, 1]} : vector<32x2048xf32> to vector<1x2048xf32>
    %sub3A_202 = arith.subf %slice3A_201, %concatenate3A_200 : vector<1x2048xf32>
    %mul3A_203 = arith.mulf %sub3A_202, %sub3A_202 : vector<1x2048xf32>
    %add3A_204 = arith.addf %add3A_198, %mul3A_203 : vector<1x2048xf32>
    %slice3A_205 = vector.extract_strided_slice %add3A_204 {offsets = [0, 0], sizes = [1, 1024], strides = [1, 1]} : vector<1x2048xf32> to vector<1x1024xf32>
    %slice3A_206 = vector.extract_strided_slice %add3A_204 {offsets = [0, 1024], sizes = [1, 1024], strides = [1, 1]} : vector<1x2048xf32> to vector<1x1024xf32>
    %slice3A_207 = vector.extract_strided_slice %get3A_18 {offsets = [0, 0], sizes = [1, 1024], strides = [1, 1]} : vector<1x2048xi32> to vector<1x1024xi32>
    %slice3A_208 = vector.extract_strided_slice %get3A_18 {offsets = [0, 1024], sizes = [1, 1024], strides = [1, 1]} : vector<1x2048xi32> to vector<1x1024xi32>
    %lt3A = arith.cmpf olt, %slice3A_206, %slice3A_205 : vector<1x1024xf32>
    %eq3A = arith.cmpf oeq, %slice3A_206, %slice3A_205 : vector<1x1024xf32>
    %lt3A_209 = arith.cmpi slt, %slice3A_208, %slice3A_207 : vector<1x1024xi32>
    %and3A = arith.andi %eq3A, %lt3A_209 : vector<1x1024xi1>
    %or3A = arith.ori %lt3A, %and3A : vector<1x1024xi1>
    %select_n3A = arith.select %or3A, %slice3A_206, %slice3A_205 : vector<1x1024xi1>, vector<1x1024xf32>
    %select_n3A_210 = arith.select %or3A, %slice3A_208, %slice3A_207 : vector<1x1024xi1>, vector<1x1024xi32>
    %slice3A_211 = vector.extract_strided_slice %select_n3A {offsets = [0, 0], sizes = [1, 512], strides = [1, 1]} : vector<1x1024xf32> to vector<1x512xf32>
    %slice3A_212 = vector.extract_strided_slice %select_n3A {offsets = [0, 512], sizes = [1, 512], strides = [1, 1]} : vector<1x1024xf32> to vector<1x512xf32>
    %slice3A_213 = vector.extract_strided_slice %select_n3A_210 {offsets = [0, 0], sizes = [1, 512], strides = [1, 1]} : vector<1x1024xi32> to vector<1x512xi32>
    %slice3A_214 = vector.extract_strided_slice %select_n3A_210 {offsets = [0, 512], sizes = [1, 512], strides = [1, 1]} : vector<1x1024xi32> to vector<1x512xi32>
    %lt3A_215 = arith.cmpf olt, %slice3A_212, %slice3A_211 : vector<1x512xf32>
    %eq3A_216 = arith.cmpf oeq, %slice3A_212, %slice3A_211 : vector<1x512xf32>
    %lt3A_217 = arith.cmpi slt, %slice3A_214, %slice3A_213 : vector<1x512xi32>
    %and3A_218 = arith.andi %eq3A_216, %lt3A_217 : vector<1x512xi1>
    %or3A_219 = arith.ori %lt3A_215, %and3A_218 : vector<1x512xi1>
    %select_n3A_220 = arith.select %or3A_219, %slice3A_212, %slice3A_211 : vector<1x512xi1>, vector<1x512xf32>
    %select_n3A_221 = arith.select %or3A_219, %slice3A_214, %slice3A_213 : vector<1x512xi1>, vector<1x512xi32>
    %slice3A_222 = vector.extract_strided_slice %select_n3A_220 {offsets = [0, 0], sizes = [1, 256], strides = [1, 1]} : vector<1x512xf32> to vector<1x256xf32>
    %slice3A_223 = vector.extract_strided_slice %select_n3A_220 {offsets = [0, 256], sizes = [1, 256], strides = [1, 1]} : vector<1x512xf32> to vector<1x256xf32>
    %slice3A_224 = vector.extract_strided_slice %select_n3A_221 {offsets = [0, 0], sizes = [1, 256], strides = [1, 1]} : vector<1x512xi32> to vector<1x256xi32>
    %slice3A_225 = vector.extract_strided_slice %select_n3A_221 {offsets = [0, 256], sizes = [1, 256], strides = [1, 1]} : vector<1x512xi32> to vector<1x256xi32>
    %lt3A_226 = arith.cmpf olt, %slice3A_223, %slice3A_222 : vector<1x256xf32>
    %eq3A_227 = arith.cmpf oeq, %slice3A_223, %slice3A_222 : vector<1x256xf32>
    %lt3A_228 = arith.cmpi slt, %slice3A_225, %slice3A_224 : vector<1x256xi32>
    %and3A_229 = arith.andi %eq3A_227, %lt3A_228 : vector<1x256xi1>
    %or3A_230 = arith.ori %lt3A_226, %and3A_229 : vector<1x256xi1>
    %select_n3A_231 = arith.select %or3A_230, %slice3A_225, %slice3A_224 : vector<1x256xi1>, vector<1x256xi32>
    %swap3A = arith.constant 0 : index
    %swap3A_232 = arith.constant 0 : index
    %swap3A_233 = arith.constant 0 : index
    %swap3A_234 = vector.load %arg5[%swap3A, %swap3A_232, %swap3A_233] : memref<2x1x256xi32, #tpu.memory_space<vmem>>, vector<1x1x256xi32>
    %swap3A_235 = vector.shape_cast %swap3A_234 : vector<1x1x256xi32> to vector<1x256xi32>
    %swap3A_236 = vector.shape_cast %select_n3A_231 : vector<1x256xi32> to vector<1x1x256xi32>
    tpu.vector_store %arg5[%swap3A, %swap3A_232, %swap3A_233], %swap3A_236 {strides = array<i32>} : memref<2x1x256xi32, #tpu.memory_space<vmem>>, vector<1x1x256xi32>,
    %concatenate3A_237 = tpu.concatenate %select_n3A_231, %select_n3A_231, %select_n3A_231, %select_n3A_231, %select_n3A_231, %select_n3A_231, %select_n3A_231, %select_n3A_231 in 1 : vector<1x256xi32>, vector<1x256xi32>, vector<1x256xi32>, vector<1x256xi32>, vector<1x256xi32>, vector<1x256xi32>, vector<1x256xi32>, vector<1x256xi32> -> vector<1x2048xi32>
    %eq3A_238 = arith.cmpi eq, %get3A_18, %concatenate3A_237 : vector<1x2048xi32>
    %convert_element_type3A = arith.extui %eq3A_238 : vector<1x2048xi1> to vector<1x2048xi32>
    %convert_element_type3A_239 = arith.sitofp %convert_element_type3A : vector<1x2048xi32> to vector<1x2048xf32>
    %slice3A_240 = vector.extract_strided_slice %get3A_3 {offsets = [0, 0], sizes = [1, 2048], strides = [1, 1]} : vector<32x2048xf32> to vector<1x2048xf32>
    %mul3A_241 = arith.mulf %slice3A_240, %convert_element_type3A_239 : vector<1x2048xf32>
    %slice3A_242 = vector.extract_strided_slice %mul3A_241 {offsets = [0, 0], sizes = [1, 1024], strides = [1, 1]} : vector<1x2048xf32> to vector<1x1024xf32>
    %slice3A_243 = vector.extract_strided_slice %mul3A_241 {offsets = [0, 1024], sizes = [1, 1024], strides = [1, 1]} : vector<1x2048xf32> to vector<1x1024xf32>
    %add3A_244 = arith.addf %slice3A_242, %slice3A_243 : vector<1x1024xf32>
    %slice3A_245 = vector.extract_strided_slice %add3A_244 {offsets = [0, 0], sizes = [1, 512], strides = [1, 1]} : vector<1x1024xf32> to vector<1x512xf32>
    %slice3A_246 = vector.extract_strided_slice %add3A_244 {offsets = [0, 512], sizes = [1, 512], strides = [1, 1]} : vector<1x1024xf32> to vector<1x512xf32>
    %add3A_247 = arith.addf %slice3A_245, %slice3A_246 : vector<1x512xf32>
    %slice3A_248 = vector.extract_strided_slice %add3A_247 {offsets = [0, 0], sizes = [1, 256], strides = [1, 1]} : vector<1x512xf32> to vector<1x256xf32>
    %slice3A_249 = vector.extract_strided_slice %add3A_247 {offsets = [0, 256], sizes = [1, 256], strides = [1, 1]} : vector<1x512xf32> to vector<1x256xf32>
    %add3A_250 = arith.addf %slice3A_248, %slice3A_249 : vector<1x256xf32>
    %slice3A_251 = vector.extract_strided_slice %get3A_3 {offsets = [1, 0], sizes = [1, 2048], strides = [1, 1]} : vector<32x2048xf32> to vector<1x2048xf32>
    %mul3A_252 = arith.mulf %slice3A_251, %convert_element_type3A_239 : vector<1x2048xf32>
    %slice3A_253 = vector.extract_strided_slice %mul3A_252 {offsets = [0, 0], sizes = [1, 1024], strides = [1, 1]} : vector<1x2048xf32> to vector<1x1024xf32>
    %slice3A_254 = vector.extract_strided_slice %mul3A_252 {offsets = [0, 1024], sizes = [1, 1024], strides = [1, 1]} : vector<1x2048xf32> to vector<1x1024xf32>
    %add3A_255 = arith.addf %slice3A_253, %slice3A_254 : vector<1x1024xf32>
    %slice3A_256 = vector.extract_strided_slice %add3A_255 {offsets = [0, 0], sizes = [1, 512], strides = [1, 1]} : vector<1x1024xf32> to vector<1x512xf32>
    %slice3A_257 = vector.extract_strided_slice %add3A_255 {offsets = [0, 512], sizes = [1, 512], strides = [1, 1]} : vector<1x1024xf32> to vector<1x512xf32>
    %add3A_258 = arith.addf %slice3A_256, %slice3A_257 : vector<1x512xf32>
    %slice3A_259 = vector.extract_strided_slice %add3A_258 {offsets = [0, 0], sizes = [1, 256], strides = [1, 1]} : vector<1x512xf32> to vector<1x256xf32>
    %slice3A_260 = vector.extract_strided_slice %add3A_258 {offsets = [0, 256], sizes = [1, 256], strides = [1, 1]} : vector<1x512xf32> to vector<1x256xf32>
    %add3A_261 = arith.addf %slice3A_259, %slice3A_260 : vector<1x256xf32>
    %slice3A_262 = vector.extract_strided_slice %get3A_3 {offsets = [2, 0], sizes = [1, 2048], strides = [1, 1]} : vector<32x2048xf32> to vector<1x2048xf32>
    %mul3A_263 = arith.mulf %slice3A_262, %convert_element_type3A_239 : vector<1x2048xf32>
    %slice3A_264 = vector.extract_strided_slice %mul3A_263 {offsets = [0, 0], sizes = [1, 1024], strides = [1, 1]} : vector<1x2048xf32> to vector<1x1024xf32>
    %slice3A_265 = vector.extract_strided_slice %mul3A_263 {offsets = [0, 1024], sizes = [1, 1024], strides = [1, 1]} : vector<1x2048xf32> to vector<1x1024xf32>
    %add3A_266 = arith.addf %slice3A_264, %slice3A_265 : vector<1x1024xf32>
    %slice3A_267 = vector.extract_strided_slice %add3A_266 {offsets = [0, 0], sizes = [1, 512], strides = [1, 1]} : vector<1x1024xf32> to vector<1x512xf32>
    %slice3A_268 = vector.extract_strided_slice %add3A_266 {offsets = [0, 512], sizes = [1, 512], strides = [1, 1]} : vector<1x1024xf32> to vector<1x512xf32>
    %add3A_269 = arith.addf %slice3A_267, %slice3A_268 : vector<1x512xf32>
    %slice3A_270 = vector.extract_strided_slice %add3A_269 {offsets = [0, 0], sizes = [1, 256], strides = [1, 1]} : vector<1x512xf32> to vector<1x256xf32>
    %slice3A_271 = vector.extract_strided_slice %add3A_269 {offsets = [0, 256], sizes = [1, 256], strides = [1, 1]} : vector<1x512xf32> to vector<1x256xf32>
    %add3A_272 = arith.addf %slice3A_270, %slice3A_271 : vector<1x256xf32>
    %slice3A_273 = vector.extract_strided_slice %get3A_3 {offsets = [3, 0], sizes = [1, 2048], strides = [1, 1]} : vector<32x2048xf32> to vector<1x2048xf32>
    %mul3A_274 = arith.mulf %slice3A_273, %convert_element_type3A_239 : vector<1x2048xf32>
    %slice3A_275 = vector.extract_strided_slice %mul3A_274 {offsets = [0, 0], sizes = [1, 1024], strides = [1, 1]} : vector<1x2048xf32> to vector<1x1024xf32>
    %slice3A_276 = vector.extract_strided_slice %mul3A_274 {offsets = [0, 1024], sizes = [1, 1024], strides = [1, 1]} : vector<1x2048xf32> to vector<1x1024xf32>
    %add3A_277 = arith.addf %slice3A_275, %slice3A_276 : vector<1x1024xf32>
    %slice3A_278 = vector.extract_strided_slice %add3A_277 {offsets = [0, 0], sizes = [1, 512], strides = [1, 1]} : vector<1x1024xf32> to vector<1x512xf32>
    %slice3A_279 = vector.extract_strided_slice %add3A_277 {offsets = [0, 512], sizes = [1, 512], strides = [1, 1]} : vector<1x1024xf32> to vector<1x512xf32>
    %add3A_280 = arith.addf %slice3A_278, %slice3A_279 : vector<1x512xf32>
    %slice3A_281 = vector.extract_strided_slice %add3A_280 {offsets = [0, 0], sizes = [1, 256], strides = [1, 1]} : vector<1x512xf32> to vector<1x256xf32>
    %slice3A_282 = vector.extract_strided_slice %add3A_280 {offsets = [0, 256], sizes = [1, 256], strides = [1, 1]} : vector<1x512xf32> to vector<1x256xf32>
    %add3A_283 = arith.addf %slice3A_281, %slice3A_282 : vector<1x256xf32>
    %slice3A_284 = vector.extract_strided_slice %get3A_3 {offsets = [4, 0], sizes = [1, 2048], strides = [1, 1]} : vector<32x2048xf32> to vector<1x2048xf32>
    %mul3A_285 = arith.mulf %slice3A_284, %convert_element_type3A_239 : vector<1x2048xf32>
    %slice3A_286 = vector.extract_strided_slice %mul3A_285 {offsets = [0, 0], sizes = [1, 1024], strides = [1, 1]} : vector<1x2048xf32> to vector<1x1024xf32>
    %slice3A_287 = vector.extract_strided_slice %mul3A_285 {offsets = [0, 1024], sizes = [1, 1024], strides = [1, 1]} : vector<1x2048xf32> to vector<1x1024xf32>
    %add3A_288 = arith.addf %slice3A_286, %slice3A_287 : vector<1x1024xf32>
    %slice3A_289 = vector.extract_strided_slice %add3A_288 {offsets = [0, 0], sizes = [1, 512], strides = [1, 1]} : vector<1x1024xf32> to vector<1x512xf32>
    %slice3A_290 = vector.extract_strided_slice %add3A_288 {offsets = [0, 512], sizes = [1, 512], strides = [1, 1]} : vector<1x1024xf32> to vector<1x512xf32>
    %add3A_291 = arith.addf %slice3A_289, %slice3A_290 : vector<1x512xf32>
    %slice3A_292 = vector.extract_strided_slice %add3A_291 {offsets = [0, 0], sizes = [1, 256], strides = [1, 1]} : vector<1x512xf32> to vector<1x256xf32>
    %slice3A_293 = vector.extract_strided_slice %add3A_291 {offsets = [0, 256], sizes = [1, 256], strides = [1, 1]} : vector<1x512xf32> to vector<1x256xf32>
    %add3A_294 = arith.addf %slice3A_292, %slice3A_293 : vector<1x256xf32>
    %slice3A_295 = vector.extract_strided_slice %get3A_3 {offsets = [5, 0], sizes = [1, 2048], strides = [1, 1]} : vector<32x2048xf32> to vector<1x2048xf32>
    %mul3A_296 = arith.mulf %slice3A_295, %convert_element_type3A_239 : vector<1x2048xf32>
    %slice3A_297 = vector.extract_strided_slice %mul3A_296 {offsets = [0, 0], sizes = [1, 1024], strides = [1, 1]} : vector<1x2048xf32> to vector<1x1024xf32>
    %slice3A_298 = vector.extract_strided_slice %mul3A_296 {offsets = [0, 1024], sizes = [1, 1024], strides = [1, 1]} : vector<1x2048xf32> to vector<1x1024xf32>
    %add3A_299 = arith.addf %slice3A_297, %slice3A_298 : vector<1x1024xf32>
    %slice3A_300 = vector.extract_strided_slice %add3A_299 {offsets = [0, 0], sizes = [1, 512], strides = [1, 1]} : vector<1x1024xf32> to vector<1x512xf32>
    %slice3A_301 = vector.extract_strided_slice %add3A_299 {offsets = [0, 512], sizes = [1, 512], strides = [1, 1]} : vector<1x1024xf32> to vector<1x512xf32>
    %add3A_302 = arith.addf %slice3A_300, %slice3A_301 : vector<1x512xf32>
    %slice3A_303 = vector.extract_strided_slice %add3A_302 {offsets = [0, 0], sizes = [1, 256], strides = [1, 1]} : vector<1x512xf32> to vector<1x256xf32>
    %slice3A_304 = vector.extract_strided_slice %add3A_302 {offsets = [0, 256], sizes = [1, 256], strides = [1, 1]} : vector<1x512xf32> to vector<1x256xf32>
    %add3A_305 = arith.addf %slice3A_303, %slice3A_304 : vector<1x256xf32>
    %slice3A_306 = vector.extract_strided_slice %get3A_3 {offsets = [6, 0], sizes = [1, 2048], strides = [1, 1]} : vector<32x2048xf32> to vector<1x2048xf32>
    %mul3A_307 = arith.mulf %slice3A_306, %convert_element_type3A_239 : vector<1x2048xf32>
    %slice3A_308 = vector.extract_strided_slice %mul3A_307 {offsets = [0, 0], sizes = [1, 1024], strides = [1, 1]} : vector<1x2048xf32> to vector<1x1024xf32>
    %slice3A_309 = vector.extract_strided_slice %mul3A_307 {offsets = [0, 1024], sizes = [1, 1024], strides = [1, 1]} : vector<1x2048xf32> to vector<1x1024xf32>
    %add3A_310 = arith.addf %slice3A_308, %slice3A_309 : vector<1x1024xf32>
    %slice3A_311 = vector.extract_strided_slice %add3A_310 {offsets = [0, 0], sizes = [1, 512], strides = [1, 1]} : vector<1x1024xf32> to vector<1x512xf32>
    %slice3A_312 = vector.extract_strided_slice %add3A_310 {offsets = [0, 512], sizes = [1, 512], strides = [1, 1]} : vector<1x1024xf32> to vector<1x512xf32>
    %add3A_313 = arith.addf %slice3A_311, %slice3A_312 : vector<1x512xf32>
    %slice3A_314 = vector.extract_strided_slice %add3A_313 {offsets = [0, 0], sizes = [1, 256], strides = [1, 1]} : vector<1x512xf32> to vector<1x256xf32>
    %slice3A_315 = vector.extract_strided_slice %add3A_313 {offsets = [0, 256], sizes = [1, 256], strides = [1, 1]} : vector<1x512xf32> to vector<1x256xf32>
    %add3A_316 = arith.addf %slice3A_314, %slice3A_315 : vector<1x256xf32>
    %slice3A_317 = vector.extract_strided_slice %get3A_3 {offsets = [7, 0], sizes = [1, 2048], strides = [1, 1]} : vector<32x2048xf32> to vector<1x2048xf32>
    %mul3A_318 = arith.mulf %slice3A_317, %convert_element_type3A_239 : vector<1x2048xf32>
    %slice3A_319 = vector.extract_strided_slice %mul3A_318 {offsets = [0, 0], sizes = [1, 1024], strides = [1, 1]} : vector<1x2048xf32> to vector<1x1024xf32>
    %slice3A_320 = vector.extract_strided_slice %mul3A_318 {offsets = [0, 1024], sizes = [1, 1024], strides = [1, 1]} : vector<1x2048xf32> to vector<1x1024xf32>
    %add3A_321 = arith.addf %slice3A_319, %slice3A_320 : vector<1x1024xf32>
    %slice3A_322 = vector.extract_strided_slice %add3A_321 {offsets = [0, 0], sizes = [1, 512], strides = [1, 1]} : vector<1x1024xf32> to vector<1x512xf32>
    %slice3A_323 = vector.extract_strided_slice %add3A_321 {offsets = [0, 512], sizes = [1, 512], strides = [1, 1]} : vector<1x1024xf32> to vector<1x512xf32>
    %add3A_324 = arith.addf %slice3A_322, %slice3A_323 : vector<1x512xf32>
    %slice3A_325 = vector.extract_strided_slice %add3A_324 {offsets = [0, 0], sizes = [1, 256], strides = [1, 1]} : vector<1x512xf32> to vector<1x256xf32>
    %slice3A_326 = vector.extract_strided_slice %add3A_324 {offsets = [0, 256], sizes = [1, 256], strides = [1, 1]} : vector<1x512xf32> to vector<1x256xf32>
    %add3A_327 = arith.addf %slice3A_325, %slice3A_326 : vector<1x256xf32>
    %slice3A_328 = vector.extract_strided_slice %get3A_3 {offsets = [8, 0], sizes = [1, 2048], strides = [1, 1]} : vector<32x2048xf32> to vector<1x2048xf32>
    %mul3A_329 = arith.mulf %slice3A_328, %convert_element_type3A_239 : vector<1x2048xf32>
    %slice3A_330 = vector.extract_strided_slice %mul3A_329 {offsets = [0, 0], sizes = [1, 1024], strides = [1, 1]} : vector<1x2048xf32> to vector<1x1024xf32>
    %slice3A_331 = vector.extract_strided_slice %mul3A_329 {offsets = [0, 1024], sizes = [1, 1024], strides = [1, 1]} : vector<1x2048xf32> to vector<1x1024xf32>
    %add3A_332 = arith.addf %slice3A_330, %slice3A_331 : vector<1x1024xf32>
    %slice3A_333 = vector.extract_strided_slice %add3A_332 {offsets = [0, 0], sizes = [1, 512], strides = [1, 1]} : vector<1x1024xf32> to vector<1x512xf32>
    %slice3A_334 = vector.extract_strided_slice %add3A_332 {offsets = [0, 512], sizes = [1, 512], strides = [1, 1]} : vector<1x1024xf32> to vector<1x512xf32>
    %add3A_335 = arith.addf %slice3A_333, %slice3A_334 : vector<1x512xf32>
    %slice3A_336 = vector.extract_strided_slice %add3A_335 {offsets = [0, 0], sizes = [1, 256], strides = [1, 1]} : vector<1x512xf32> to vector<1x256xf32>
    %slice3A_337 = vector.extract_strided_slice %add3A_335 {offsets = [0, 256], sizes = [1, 256], strides = [1, 1]} : vector<1x512xf32> to vector<1x256xf32>
    %add3A_338 = arith.addf %slice3A_336, %slice3A_337 : vector<1x256xf32>
    %slice3A_339 = vector.extract_strided_slice %get3A_3 {offsets = [9, 0], sizes = [1, 2048], strides = [1, 1]} : vector<32x2048xf32> to vector<1x2048xf32>
    %mul3A_340 = arith.mulf %slice3A_339, %convert_element_type3A_239 : vector<1x2048xf32>
    %slice3A_341 = vector.extract_strided_slice %mul3A_340 {offsets = [0, 0], sizes = [1, 1024], strides = [1, 1]} : vector<1x2048xf32> to vector<1x1024xf32>
    %slice3A_342 = vector.extract_strided_slice %mul3A_340 {offsets = [0, 1024], sizes = [1, 1024], strides = [1, 1]} : vector<1x2048xf32> to vector<1x1024xf32>
    %add3A_343 = arith.addf %slice3A_341, %slice3A_342 : vector<1x1024xf32>
    %slice3A_344 = vector.extract_strided_slice %add3A_343 {offsets = [0, 0], sizes = [1, 512], strides = [1, 1]} : vector<1x1024xf32> to vector<1x512xf32>
    %slice3A_345 = vector.extract_strided_slice %add3A_343 {offsets = [0, 512], sizes = [1, 512], strides = [1, 1]} : vector<1x1024xf32> to vector<1x512xf32>
    %add3A_346 = arith.addf %slice3A_344, %slice3A_345 : vector<1x512xf32>
    %slice3A_347 = vector.extract_strided_slice %add3A_346 {offsets = [0, 0], sizes = [1, 256], strides = [1, 1]} : vector<1x512xf32> to vector<1x256xf32>
    %slice3A_348 = vector.extract_strided_slice %add3A_346 {offsets = [0, 256], sizes = [1, 256], strides = [1, 1]} : vector<1x512xf32> to vector<1x256xf32>
    %add3A_349 = arith.addf %slice3A_347, %slice3A_348 : vector<1x256xf32>
    %slice3A_350 = vector.extract_strided_slice %get3A_3 {offsets = [10, 0], sizes = [1, 2048], strides = [1, 1]} : vector<32x2048xf32> to vector<1x2048xf32>
    %mul3A_351 = arith.mulf %slice3A_350, %convert_element_type3A_239 : vector<1x2048xf32>
    %slice3A_352 = vector.extract_strided_slice %mul3A_351 {offsets = [0, 0], sizes = [1, 1024], strides = [1, 1]} : vector<1x2048xf32> to vector<1x1024xf32>
    %slice3A_353 = vector.extract_strided_slice %mul3A_351 {offsets = [0, 1024], sizes = [1, 1024], strides = [1, 1]} : vector<1x2048xf32> to vector<1x1024xf32>
    %add3A_354 = arith.addf %slice3A_352, %slice3A_353 : vector<1x1024xf32>
    %slice3A_355 = vector.extract_strided_slice %add3A_354 {offsets = [0, 0], sizes = [1, 512], strides = [1, 1]} : vector<1x1024xf32> to vector<1x512xf32>
    %slice3A_356 = vector.extract_strided_slice %add3A_354 {offsets = [0, 512], sizes = [1, 512], strides = [1, 1]} : vector<1x1024xf32> to vector<1x512xf32>
    %add3A_357 = arith.addf %slice3A_355, %slice3A_356 : vector<1x512xf32>
    %slice3A_358 = vector.extract_strided_slice %add3A_357 {offsets = [0, 0], sizes = [1, 256], strides = [1, 1]} : vector<1x512xf32> to vector<1x256xf32>
    %slice3A_359 = vector.extract_strided_slice %add3A_357 {offsets = [0, 256], sizes = [1, 256], strides = [1, 1]} : vector<1x512xf32> to vector<1x256xf32>
    %add3A_360 = arith.addf %slice3A_358, %slice3A_359 : vector<1x256xf32>
    %slice3A_361 = vector.extract_strided_slice %get3A_3 {offsets = [11, 0], sizes = [1, 2048], strides = [1, 1]} : vector<32x2048xf32> to vector<1x2048xf32>
    %mul3A_362 = arith.mulf %slice3A_361, %convert_element_type3A_239 : vector<1x2048xf32>
    %slice3A_363 = vector.extract_strided_slice %mul3A_362 {offsets = [0, 0], sizes = [1, 1024], strides = [1, 1]} : vector<1x2048xf32> to vector<1x1024xf32>
    %slice3A_364 = vector.extract_strided_slice %mul3A_362 {offsets = [0, 1024], sizes = [1, 1024], strides = [1, 1]} : vector<1x2048xf32> to vector<1x1024xf32>
    %add3A_365 = arith.addf %slice3A_363, %slice3A_364 : vector<1x1024xf32>
    %slice3A_366 = vector.extract_strided_slice %add3A_365 {offsets = [0, 0], sizes = [1, 512], strides = [1, 1]} : vector<1x1024xf32> to vector<1x512xf32>
    %slice3A_367 = vector.extract_strided_slice %add3A_365 {offsets = [0, 512], sizes = [1, 512], strides = [1, 1]} : vector<1x1024xf32> to vector<1x512xf32>
    %add3A_368 = arith.addf %slice3A_366, %slice3A_367 : vector<1x512xf32>
    %slice3A_369 = vector.extract_strided_slice %add3A_368 {offsets = [0, 0], sizes = [1, 256], strides = [1, 1]} : vector<1x512xf32> to vector<1x256xf32>
    %slice3A_370 = vector.extract_strided_slice %add3A_368 {offsets = [0, 256], sizes = [1, 256], strides = [1, 1]} : vector<1x512xf32> to vector<1x256xf32>
    %add3A_371 = arith.addf %slice3A_369, %slice3A_370 : vector<1x256xf32>
    %slice3A_372 = vector.extract_strided_slice %get3A_3 {offsets = [12, 0], sizes = [1, 2048], strides = [1, 1]} : vector<32x2048xf32> to vector<1x2048xf32>
    %mul3A_373 = arith.mulf %slice3A_372, %convert_element_type3A_239 : vector<1x2048xf32>
    %slice3A_374 = vector.extract_strided_slice %mul3A_373 {offsets = [0, 0], sizes = [1, 1024], strides = [1, 1]} : vector<1x2048xf32> to vector<1x1024xf32>
    %slice3A_375 = vector.extract_strided_slice %mul3A_373 {offsets = [0, 1024], sizes = [1, 1024], strides = [1, 1]} : vector<1x2048xf32> to vector<1x1024xf32>
    %add3A_376 = arith.addf %slice3A_374, %slice3A_375 : vector<1x1024xf32>
    %slice3A_377 = vector.extract_strided_slice %add3A_376 {offsets = [0, 0], sizes = [1, 512], strides = [1, 1]} : vector<1x1024xf32> to vector<1x512xf32>
    %slice3A_378 = vector.extract_strided_slice %add3A_376 {offsets = [0, 512], sizes = [1, 512], strides = [1, 1]} : vector<1x1024xf32> to vector<1x512xf32>
    %add3A_379 = arith.addf %slice3A_377, %slice3A_378 : vector<1x512xf32>
    %slice3A_380 = vector.extract_strided_slice %add3A_379 {offsets = [0, 0], sizes = [1, 256], strides = [1, 1]} : vector<1x512xf32> to vector<1x256xf32>
    %slice3A_381 = vector.extract_strided_slice %add3A_379 {offsets = [0, 256], sizes = [1, 256], strides = [1, 1]} : vector<1x512xf32> to vector<1x256xf32>
    %add3A_382 = arith.addf %slice3A_380, %slice3A_381 : vector<1x256xf32>
    %slice3A_383 = vector.extract_strided_slice %get3A_3 {offsets = [13, 0], sizes = [1, 2048], strides = [1, 1]} : vector<32x2048xf32> to vector<1x2048xf32>
    %mul3A_384 = arith.mulf %slice3A_383, %convert_element_type3A_239 : vector<1x2048xf32>
    %slice3A_385 = vector.extract_strided_slice %mul3A_384 {offsets = [0, 0], sizes = [1, 1024], strides = [1, 1]} : vector<1x2048xf32> to vector<1x1024xf32>
    %slice3A_386 = vector.extract_strided_slice %mul3A_384 {offsets = [0, 1024], sizes = [1, 1024], strides = [1, 1]} : vector<1x2048xf32> to vector<1x1024xf32>
    %add3A_387 = arith.addf %slice3A_385, %slice3A_386 : vector<1x1024xf32>
    %slice3A_388 = vector.extract_strided_slice %add3A_387 {offsets = [0, 0], sizes = [1, 512], strides = [1, 1]} : vector<1x1024xf32> to vector<1x512xf32>
    %slice3A_389 = vector.extract_strided_slice %add3A_387 {offsets = [0, 512], sizes = [1, 512], strides = [1, 1]} : vector<1x1024xf32> to vector<1x512xf32>
    %add3A_390 = arith.addf %slice3A_388, %slice3A_389 : vector<1x512xf32>
    %slice3A_391 = vector.extract_strided_slice %add3A_390 {offsets = [0, 0], sizes = [1, 256], strides = [1, 1]} : vector<1x512xf32> to vector<1x256xf32>
    %slice3A_392 = vector.extract_strided_slice %add3A_390 {offsets = [0, 256], sizes = [1, 256], strides = [1, 1]} : vector<1x512xf32> to vector<1x256xf32>
    %add3A_393 = arith.addf %slice3A_391, %slice3A_392 : vector<1x256xf32>
    %slice3A_394 = vector.extract_strided_slice %get3A_3 {offsets = [14, 0], sizes = [1, 2048], strides = [1, 1]} : vector<32x2048xf32> to vector<1x2048xf32>
    %mul3A_395 = arith.mulf %slice3A_394, %convert_element_type3A_239 : vector<1x2048xf32>
    %slice3A_396 = vector.extract_strided_slice %mul3A_395 {offsets = [0, 0], sizes = [1, 1024], strides = [1, 1]} : vector<1x2048xf32> to vector<1x1024xf32>
    %slice3A_397 = vector.extract_strided_slice %mul3A_395 {offsets = [0, 1024], sizes = [1, 1024], strides = [1, 1]} : vector<1x2048xf32> to vector<1x1024xf32>
    %add3A_398 = arith.addf %slice3A_396, %slice3A_397 : vector<1x1024xf32>
    %slice3A_399 = vector.extract_strided_slice %add3A_398 {offsets = [0, 0], sizes = [1, 512], strides = [1, 1]} : vector<1x1024xf32> to vector<1x512xf32>
    %slice3A_400 = vector.extract_strided_slice %add3A_398 {offsets = [0, 512], sizes = [1, 512], strides = [1, 1]} : vector<1x1024xf32> to vector<1x512xf32>
    %add3A_401 = arith.addf %slice3A_399, %slice3A_400 : vector<1x512xf32>
    %slice3A_402 = vector.extract_strided_slice %add3A_401 {offsets = [0, 0], sizes = [1, 256], strides = [1, 1]} : vector<1x512xf32> to vector<1x256xf32>
    %slice3A_403 = vector.extract_strided_slice %add3A_401 {offsets = [0, 256], sizes = [1, 256], strides = [1, 1]} : vector<1x512xf32> to vector<1x256xf32>
    %add3A_404 = arith.addf %slice3A_402, %slice3A_403 : vector<1x256xf32>
    %slice3A_405 = vector.extract_strided_slice %get3A_3 {offsets = [15, 0], sizes = [1, 2048], strides = [1, 1]} : vector<32x2048xf32> to vector<1x2048xf32>
    %mul3A_406 = arith.mulf %slice3A_405, %convert_element_type3A_239 : vector<1x2048xf32>
    %slice3A_407 = vector.extract_strided_slice %mul3A_406 {offsets = [0, 0], sizes = [1, 1024], strides = [1, 1]} : vector<1x2048xf32> to vector<1x1024xf32>
    %slice3A_408 = vector.extract_strided_slice %mul3A_406 {offsets = [0, 1024], sizes = [1, 1024], strides = [1, 1]} : vector<1x2048xf32> to vector<1x1024xf32>
    %add3A_409 = arith.addf %slice3A_407, %slice3A_408 : vector<1x1024xf32>
    %slice3A_410 = vector.extract_strided_slice %add3A_409 {offsets = [0, 0], sizes = [1, 512], strides = [1, 1]} : vector<1x1024xf32> to vector<1x512xf32>
    %slice3A_411 = vector.extract_strided_slice %add3A_409 {offsets = [0, 512], sizes = [1, 512], strides = [1, 1]} : vector<1x1024xf32> to vector<1x512xf32>
    %add3A_412 = arith.addf %slice3A_410, %slice3A_411 : vector<1x512xf32>
    %slice3A_413 = vector.extract_strided_slice %add3A_412 {offsets = [0, 0], sizes = [1, 256], strides = [1, 1]} : vector<1x512xf32> to vector<1x256xf32>
    %slice3A_414 = vector.extract_strided_slice %add3A_412 {offsets = [0, 256], sizes = [1, 256], strides = [1, 1]} : vector<1x512xf32> to vector<1x256xf32>
    %add3A_415 = arith.addf %slice3A_413, %slice3A_414 : vector<1x256xf32>
    %slice3A_416 = vector.extract_strided_slice %get3A_3 {offsets = [16, 0], sizes = [1, 2048], strides = [1, 1]} : vector<32x2048xf32> to vector<1x2048xf32>
    %mul3A_417 = arith.mulf %slice3A_416, %convert_element_type3A_239 : vector<1x2048xf32>
    %slice3A_418 = vector.extract_strided_slice %mul3A_417 {offsets = [0, 0], sizes = [1, 1024], strides = [1, 1]} : vector<1x2048xf32> to vector<1x1024xf32>
    %slice3A_419 = vector.extract_strided_slice %mul3A_417 {offsets = [0, 1024], sizes = [1, 1024], strides = [1, 1]} : vector<1x2048xf32> to vector<1x1024xf32>
    %add3A_420 = arith.addf %slice3A_418, %slice3A_419 : vector<1x1024xf32>
    %slice3A_421 = vector.extract_strided_slice %add3A_420 {offsets = [0, 0], sizes = [1, 512], strides = [1, 1]} : vector<1x1024xf32> to vector<1x512xf32>
    %slice3A_422 = vector.extract_strided_slice %add3A_420 {offsets = [0, 512], sizes = [1, 512], strides = [1, 1]} : vector<1x1024xf32> to vector<1x512xf32>
    %add3A_423 = arith.addf %slice3A_421, %slice3A_422 : vector<1x512xf32>
    %slice3A_424 = vector.extract_strided_slice %add3A_423 {offsets = [0, 0], sizes = [1, 256], strides = [1, 1]} : vector<1x512xf32> to vector<1x256xf32>
    %slice3A_425 = vector.extract_strided_slice %add3A_423 {offsets = [0, 256], sizes = [1, 256], strides = [1, 1]} : vector<1x512xf32> to vector<1x256xf32>
    %add3A_426 = arith.addf %slice3A_424, %slice3A_425 : vector<1x256xf32>
    %slice3A_427 = vector.extract_strided_slice %get3A_3 {offsets = [17, 0], sizes = [1, 2048], strides = [1, 1]} : vector<32x2048xf32> to vector<1x2048xf32>
    %mul3A_428 = arith.mulf %slice3A_427, %convert_element_type3A_239 : vector<1x2048xf32>
    %slice3A_429 = vector.extract_strided_slice %mul3A_428 {offsets = [0, 0], sizes = [1, 1024], strides = [1, 1]} : vector<1x2048xf32> to vector<1x1024xf32>
    %slice3A_430 = vector.extract_strided_slice %mul3A_428 {offsets = [0, 1024], sizes = [1, 1024], strides = [1, 1]} : vector<1x2048xf32> to vector<1x1024xf32>
    %add3A_431 = arith.addf %slice3A_429, %slice3A_430 : vector<1x1024xf32>
    %slice3A_432 = vector.extract_strided_slice %add3A_431 {offsets = [0, 0], sizes = [1, 512], strides = [1, 1]} : vector<1x1024xf32> to vector<1x512xf32>
    %slice3A_433 = vector.extract_strided_slice %add3A_431 {offsets = [0, 512], sizes = [1, 512], strides = [1, 1]} : vector<1x1024xf32> to vector<1x512xf32>
    %add3A_434 = arith.addf %slice3A_432, %slice3A_433 : vector<1x512xf32>
    %slice3A_435 = vector.extract_strided_slice %add3A_434 {offsets = [0, 0], sizes = [1, 256], strides = [1, 1]} : vector<1x512xf32> to vector<1x256xf32>
    %slice3A_436 = vector.extract_strided_slice %add3A_434 {offsets = [0, 256], sizes = [1, 256], strides = [1, 1]} : vector<1x512xf32> to vector<1x256xf32>
    %add3A_437 = arith.addf %slice3A_435, %slice3A_436 : vector<1x256xf32>
    %slice3A_438 = vector.extract_strided_slice %get3A_3 {offsets = [18, 0], sizes = [1, 2048], strides = [1, 1]} : vector<32x2048xf32> to vector<1x2048xf32>
    %mul3A_439 = arith.mulf %slice3A_438, %convert_element_type3A_239 : vector<1x2048xf32>
    %slice3A_440 = vector.extract_strided_slice %mul3A_439 {offsets = [0, 0], sizes = [1, 1024], strides = [1, 1]} : vector<1x2048xf32> to vector<1x1024xf32>
    %slice3A_441 = vector.extract_strided_slice %mul3A_439 {offsets = [0, 1024], sizes = [1, 1024], strides = [1, 1]} : vector<1x2048xf32> to vector<1x1024xf32>
    %add3A_442 = arith.addf %slice3A_440, %slice3A_441 : vector<1x1024xf32>
    %slice3A_443 = vector.extract_strided_slice %add3A_442 {offsets = [0, 0], sizes = [1, 512], strides = [1, 1]} : vector<1x1024xf32> to vector<1x512xf32>
    %slice3A_444 = vector.extract_strided_slice %add3A_442 {offsets = [0, 512], sizes = [1, 512], strides = [1, 1]} : vector<1x1024xf32> to vector<1x512xf32>
    %add3A_445 = arith.addf %slice3A_443, %slice3A_444 : vector<1x512xf32>
    %slice3A_446 = vector.extract_strided_slice %add3A_445 {offsets = [0, 0], sizes = [1, 256], strides = [1, 1]} : vector<1x512xf32> to vector<1x256xf32>
    %slice3A_447 = vector.extract_strided_slice %add3A_445 {offsets = [0, 256], sizes = [1, 256], strides = [1, 1]} : vector<1x512xf32> to vector<1x256xf32>
    %add3A_448 = arith.addf %slice3A_446, %slice3A_447 : vector<1x256xf32>
    %slice3A_449 = vector.extract_strided_slice %get3A_3 {offsets = [19, 0], sizes = [1, 2048], strides = [1, 1]} : vector<32x2048xf32> to vector<1x2048xf32>
    %mul3A_450 = arith.mulf %slice3A_449, %convert_element_type3A_239 : vector<1x2048xf32>
    %slice3A_451 = vector.extract_strided_slice %mul3A_450 {offsets = [0, 0], sizes = [1, 1024], strides = [1, 1]} : vector<1x2048xf32> to vector<1x1024xf32>
    %slice3A_452 = vector.extract_strided_slice %mul3A_450 {offsets = [0, 1024], sizes = [1, 1024], strides = [1, 1]} : vector<1x2048xf32> to vector<1x1024xf32>
    %add3A_453 = arith.addf %slice3A_451, %slice3A_452 : vector<1x1024xf32>
    %slice3A_454 = vector.extract_strided_slice %add3A_453 {offsets = [0, 0], sizes = [1, 512], strides = [1, 1]} : vector<1x1024xf32> to vector<1x512xf32>
    %slice3A_455 = vector.extract_strided_slice %add3A_453 {offsets = [0, 512], sizes = [1, 512], strides = [1, 1]} : vector<1x1024xf32> to vector<1x512xf32>
    %add3A_456 = arith.addf %slice3A_454, %slice3A_455 : vector<1x512xf32>
    %slice3A_457 = vector.extract_strided_slice %add3A_456 {offsets = [0, 0], sizes = [1, 256], strides = [1, 1]} : vector<1x512xf32> to vector<1x256xf32>
    %slice3A_458 = vector.extract_strided_slice %add3A_456 {offsets = [0, 256], sizes = [1, 256], strides = [1, 1]} : vector<1x512xf32> to vector<1x256xf32>
    %add3A_459 = arith.addf %slice3A_457, %slice3A_458 : vector<1x256xf32>
    %slice3A_460 = vector.extract_strided_slice %get3A_3 {offsets = [20, 0], sizes = [1, 2048], strides = [1, 1]} : vector<32x2048xf32> to vector<1x2048xf32>
    %mul3A_461 = arith.mulf %slice3A_460, %convert_element_type3A_239 : vector<1x2048xf32>
    %slice3A_462 = vector.extract_strided_slice %mul3A_461 {offsets = [0, 0], sizes = [1, 1024], strides = [1, 1]} : vector<1x2048xf32> to vector<1x1024xf32>
    %slice3A_463 = vector.extract_strided_slice %mul3A_461 {offsets = [0, 1024], sizes = [1, 1024], strides = [1, 1]} : vector<1x2048xf32> to vector<1x1024xf32>
    %add3A_464 = arith.addf %slice3A_462, %slice3A_463 : vector<1x1024xf32>
    %slice3A_465 = vector.extract_strided_slice %add3A_464 {offsets = [0, 0], sizes = [1, 512], strides = [1, 1]} : vector<1x1024xf32> to vector<1x512xf32>
    %slice3A_466 = vector.extract_strided_slice %add3A_464 {offsets = [0, 512], sizes = [1, 512], strides = [1, 1]} : vector<1x1024xf32> to vector<1x512xf32>
    %add3A_467 = arith.addf %slice3A_465, %slice3A_466 : vector<1x512xf32>
    %slice3A_468 = vector.extract_strided_slice %add3A_467 {offsets = [0, 0], sizes = [1, 256], strides = [1, 1]} : vector<1x512xf32> to vector<1x256xf32>
    %slice3A_469 = vector.extract_strided_slice %add3A_467 {offsets = [0, 256], sizes = [1, 256], strides = [1, 1]} : vector<1x512xf32> to vector<1x256xf32>
    %add3A_470 = arith.addf %slice3A_468, %slice3A_469 : vector<1x256xf32>
    %slice3A_471 = vector.extract_strided_slice %get3A_3 {offsets = [21, 0], sizes = [1, 2048], strides = [1, 1]} : vector<32x2048xf32> to vector<1x2048xf32>
    %mul3A_472 = arith.mulf %slice3A_471, %convert_element_type3A_239 : vector<1x2048xf32>
    %slice3A_473 = vector.extract_strided_slice %mul3A_472 {offsets = [0, 0], sizes = [1, 1024], strides = [1, 1]} : vector<1x2048xf32> to vector<1x1024xf32>
    %slice3A_474 = vector.extract_strided_slice %mul3A_472 {offsets = [0, 1024], sizes = [1, 1024], strides = [1, 1]} : vector<1x2048xf32> to vector<1x1024xf32>
    %add3A_475 = arith.addf %slice3A_473, %slice3A_474 : vector<1x1024xf32>
    %slice3A_476 = vector.extract_strided_slice %add3A_475 {offsets = [0, 0], sizes = [1, 512], strides = [1, 1]} : vector<1x1024xf32> to vector<1x512xf32>
    %slice3A_477 = vector.extract_strided_slice %add3A_475 {offsets = [0, 512], sizes = [1, 512], strides = [1, 1]} : vector<1x1024xf32> to vector<1x512xf32>
    %add3A_478 = arith.addf %slice3A_476, %slice3A_477 : vector<1x512xf32>
    %slice3A_479 = vector.extract_strided_slice %add3A_478 {offsets = [0, 0], sizes = [1, 256], strides = [1, 1]} : vector<1x512xf32> to vector<1x256xf32>
    %slice3A_480 = vector.extract_strided_slice %add3A_478 {offsets = [0, 256], sizes = [1, 256], strides = [1, 1]} : vector<1x512xf32> to vector<1x256xf32>
    %add3A_481 = arith.addf %slice3A_479, %slice3A_480 : vector<1x256xf32>
    %slice3A_482 = vector.extract_strided_slice %get3A_3 {offsets = [22, 0], sizes = [1, 2048], strides = [1, 1]} : vector<32x2048xf32> to vector<1x2048xf32>
    %mul3A_483 = arith.mulf %slice3A_482, %convert_element_type3A_239 : vector<1x2048xf32>
    %slice3A_484 = vector.extract_strided_slice %mul3A_483 {offsets = [0, 0], sizes = [1, 1024], strides = [1, 1]} : vector<1x2048xf32> to vector<1x1024xf32>
    %slice3A_485 = vector.extract_strided_slice %mul3A_483 {offsets = [0, 1024], sizes = [1, 1024], strides = [1, 1]} : vector<1x2048xf32> to vector<1x1024xf32>
    %add3A_486 = arith.addf %slice3A_484, %slice3A_485 : vector<1x1024xf32>
    %slice3A_487 = vector.extract_strided_slice %add3A_486 {offsets = [0, 0], sizes = [1, 512], strides = [1, 1]} : vector<1x1024xf32> to vector<1x512xf32>
    %slice3A_488 = vector.extract_strided_slice %add3A_486 {offsets = [0, 512], sizes = [1, 512], strides = [1, 1]} : vector<1x1024xf32> to vector<1x512xf32>
    %add3A_489 = arith.addf %slice3A_487, %slice3A_488 : vector<1x512xf32>
    %slice3A_490 = vector.extract_strided_slice %add3A_489 {offsets = [0, 0], sizes = [1, 256], strides = [1, 1]} : vector<1x512xf32> to vector<1x256xf32>
    %slice3A_491 = vector.extract_strided_slice %add3A_489 {offsets = [0, 256], sizes = [1, 256], strides = [1, 1]} : vector<1x512xf32> to vector<1x256xf32>
    %add3A_492 = arith.addf %slice3A_490, %slice3A_491 : vector<1x256xf32>
    %slice3A_493 = vector.extract_strided_slice %get3A_3 {offsets = [23, 0], sizes = [1, 2048], strides = [1, 1]} : vector<32x2048xf32> to vector<1x2048xf32>
    %mul3A_494 = arith.mulf %slice3A_493, %convert_element_type3A_239 : vector<1x2048xf32>
    %slice3A_495 = vector.extract_strided_slice %mul3A_494 {offsets = [0, 0], sizes = [1, 1024], strides = [1, 1]} : vector<1x2048xf32> to vector<1x1024xf32>
    %slice3A_496 = vector.extract_strided_slice %mul3A_494 {offsets = [0, 1024], sizes = [1, 1024], strides = [1, 1]} : vector<1x2048xf32> to vector<1x1024xf32>
    %add3A_497 = arith.addf %slice3A_495, %slice3A_496 : vector<1x1024xf32>
    %slice3A_498 = vector.extract_strided_slice %add3A_497 {offsets = [0, 0], sizes = [1, 512], strides = [1, 1]} : vector<1x1024xf32> to vector<1x512xf32>
    %slice3A_499 = vector.extract_strided_slice %add3A_497 {offsets = [0, 512], sizes = [1, 512], strides = [1, 1]} : vector<1x1024xf32> to vector<1x512xf32>
    %add3A_500 = arith.addf %slice3A_498, %slice3A_499 : vector<1x512xf32>
    %slice3A_501 = vector.extract_strided_slice %add3A_500 {offsets = [0, 0], sizes = [1, 256], strides = [1, 1]} : vector<1x512xf32> to vector<1x256xf32>
    %slice3A_502 = vector.extract_strided_slice %add3A_500 {offsets = [0, 256], sizes = [1, 256], strides = [1, 1]} : vector<1x512xf32> to vector<1x256xf32>
    %add3A_503 = arith.addf %slice3A_501, %slice3A_502 : vector<1x256xf32>
    %slice3A_504 = vector.extract_strided_slice %get3A_3 {offsets = [24, 0], sizes = [1, 2048], strides = [1, 1]} : vector<32x2048xf32> to vector<1x2048xf32>
    %mul3A_505 = arith.mulf %slice3A_504, %convert_element_type3A_239 : vector<1x2048xf32>
    %slice3A_506 = vector.extract_strided_slice %mul3A_505 {offsets = [0, 0], sizes = [1, 1024], strides = [1, 1]} : vector<1x2048xf32> to vector<1x1024xf32>
    %slice3A_507 = vector.extract_strided_slice %mul3A_505 {offsets = [0, 1024], sizes = [1, 1024], strides = [1, 1]} : vector<1x2048xf32> to vector<1x1024xf32>
    %add3A_508 = arith.addf %slice3A_506, %slice3A_507 : vector<1x1024xf32>
    %slice3A_509 = vector.extract_strided_slice %add3A_508 {offsets = [0, 0], sizes = [1, 512], strides = [1, 1]} : vector<1x1024xf32> to vector<1x512xf32>
    %slice3A_510 = vector.extract_strided_slice %add3A_508 {offsets = [0, 512], sizes = [1, 512], strides = [1, 1]} : vector<1x1024xf32> to vector<1x512xf32>
    %add3A_511 = arith.addf %slice3A_509, %slice3A_510 : vector<1x512xf32>
    %slice3A_512 = vector.extract_strided_slice %add3A_511 {offsets = [0, 0], sizes = [1, 256], strides = [1, 1]} : vector<1x512xf32> to vector<1x256xf32>
    %slice3A_513 = vector.extract_strided_slice %add3A_511 {offsets = [0, 256], sizes = [1, 256], strides = [1, 1]} : vector<1x512xf32> to vector<1x256xf32>
    %add3A_514 = arith.addf %slice3A_512, %slice3A_513 : vector<1x256xf32>
    %slice3A_515 = vector.extract_strided_slice %get3A_3 {offsets = [25, 0], sizes = [1, 2048], strides = [1, 1]} : vector<32x2048xf32> to vector<1x2048xf32>
    %mul3A_516 = arith.mulf %slice3A_515, %convert_element_type3A_239 : vector<1x2048xf32>
    %slice3A_517 = vector.extract_strided_slice %mul3A_516 {offsets = [0, 0], sizes = [1, 1024], strides = [1, 1]} : vector<1x2048xf32> to vector<1x1024xf32>
    %slice3A_518 = vector.extract_strided_slice %mul3A_516 {offsets = [0, 1024], sizes = [1, 1024], strides = [1, 1]} : vector<1x2048xf32> to vector<1x1024xf32>
    %add3A_519 = arith.addf %slice3A_517, %slice3A_518 : vector<1x1024xf32>
    %slice3A_520 = vector.extract_strided_slice %add3A_519 {offsets = [0, 0], sizes = [1, 512], strides = [1, 1]} : vector<1x1024xf32> to vector<1x512xf32>
    %slice3A_521 = vector.extract_strided_slice %add3A_519 {offsets = [0, 512], sizes = [1, 512], strides = [1, 1]} : vector<1x1024xf32> to vector<1x512xf32>
    %add3A_522 = arith.addf %slice3A_520, %slice3A_521 : vector<1x512xf32>
    %slice3A_523 = vector.extract_strided_slice %add3A_522 {offsets = [0, 0], sizes = [1, 256], strides = [1, 1]} : vector<1x512xf32> to vector<1x256xf32>
    %slice3A_524 = vector.extract_strided_slice %add3A_522 {offsets = [0, 256], sizes = [1, 256], strides = [1, 1]} : vector<1x512xf32> to vector<1x256xf32>
    %add3A_525 = arith.addf %slice3A_523, %slice3A_524 : vector<1x256xf32>
    %slice3A_526 = vector.extract_strided_slice %get3A_3 {offsets = [26, 0], sizes = [1, 2048], strides = [1, 1]} : vector<32x2048xf32> to vector<1x2048xf32>
    %mul3A_527 = arith.mulf %slice3A_526, %convert_element_type3A_239 : vector<1x2048xf32>
    %slice3A_528 = vector.extract_strided_slice %mul3A_527 {offsets = [0, 0], sizes = [1, 1024], strides = [1, 1]} : vector<1x2048xf32> to vector<1x1024xf32>
    %slice3A_529 = vector.extract_strided_slice %mul3A_527 {offsets = [0, 1024], sizes = [1, 1024], strides = [1, 1]} : vector<1x2048xf32> to vector<1x1024xf32>
    %add3A_530 = arith.addf %slice3A_528, %slice3A_529 : vector<1x1024xf32>
    %slice3A_531 = vector.extract_strided_slice %add3A_530 {offsets = [0, 0], sizes = [1, 512], strides = [1, 1]} : vector<1x1024xf32> to vector<1x512xf32>
    %slice3A_532 = vector.extract_strided_slice %add3A_530 {offsets = [0, 512], sizes = [1, 512], strides = [1, 1]} : vector<1x1024xf32> to vector<1x512xf32>
    %add3A_533 = arith.addf %slice3A_531, %slice3A_532 : vector<1x512xf32>
    %slice3A_534 = vector.extract_strided_slice %add3A_533 {offsets = [0, 0], sizes = [1, 256], strides = [1, 1]} : vector<1x512xf32> to vector<1x256xf32>
    %slice3A_535 = vector.extract_strided_slice %add3A_533 {offsets = [0, 256], sizes = [1, 256], strides = [1, 1]} : vector<1x512xf32> to vector<1x256xf32>
    %add3A_536 = arith.addf %slice3A_534, %slice3A_535 : vector<1x256xf32>
    %slice3A_537 = vector.extract_strided_slice %get3A_3 {offsets = [27, 0], sizes = [1, 2048], strides = [1, 1]} : vector<32x2048xf32> to vector<1x2048xf32>
    %mul3A_538 = arith.mulf %slice3A_537, %convert_element_type3A_239 : vector<1x2048xf32>
    %slice3A_539 = vector.extract_strided_slice %mul3A_538 {offsets = [0, 0], sizes = [1, 1024], strides = [1, 1]} : vector<1x2048xf32> to vector<1x1024xf32>
    %slice3A_540 = vector.extract_strided_slice %mul3A_538 {offsets = [0, 1024], sizes = [1, 1024], strides = [1, 1]} : vector<1x2048xf32> to vector<1x1024xf32>
    %add3A_541 = arith.addf %slice3A_539, %slice3A_540 : vector<1x1024xf32>
    %slice3A_542 = vector.extract_strided_slice %add3A_541 {offsets = [0, 0], sizes = [1, 512], strides = [1, 1]} : vector<1x1024xf32> to vector<1x512xf32>
    %slice3A_543 = vector.extract_strided_slice %add3A_541 {offsets = [0, 512], sizes = [1, 512], strides = [1, 1]} : vector<1x1024xf32> to vector<1x512xf32>
    %add3A_544 = arith.addf %slice3A_542, %slice3A_543 : vector<1x512xf32>
    %slice3A_545 = vector.extract_strided_slice %add3A_544 {offsets = [0, 0], sizes = [1, 256], strides = [1, 1]} : vector<1x512xf32> to vector<1x256xf32>
    %slice3A_546 = vector.extract_strided_slice %add3A_544 {offsets = [0, 256], sizes = [1, 256], strides = [1, 1]} : vector<1x512xf32> to vector<1x256xf32>
    %add3A_547 = arith.addf %slice3A_545, %slice3A_546 : vector<1x256xf32>
    %slice3A_548 = vector.extract_strided_slice %get3A_3 {offsets = [28, 0], sizes = [1, 2048], strides = [1, 1]} : vector<32x2048xf32> to vector<1x2048xf32>
    %mul3A_549 = arith.mulf %slice3A_548, %convert_element_type3A_239 : vector<1x2048xf32>
    %slice3A_550 = vector.extract_strided_slice %mul3A_549 {offsets = [0, 0], sizes = [1, 1024], strides = [1, 1]} : vector<1x2048xf32> to vector<1x1024xf32>
    %slice3A_551 = vector.extract_strided_slice %mul3A_549 {offsets = [0, 1024], sizes = [1, 1024], strides = [1, 1]} : vector<1x2048xf32> to vector<1x1024xf32>
    %add3A_552 = arith.addf %slice3A_550, %slice3A_551 : vector<1x1024xf32>
    %slice3A_553 = vector.extract_strided_slice %add3A_552 {offsets = [0, 0], sizes = [1, 512], strides = [1, 1]} : vector<1x1024xf32> to vector<1x512xf32>
    %slice3A_554 = vector.extract_strided_slice %add3A_552 {offsets = [0, 512], sizes = [1, 512], strides = [1, 1]} : vector<1x1024xf32> to vector<1x512xf32>
    %add3A_555 = arith.addf %slice3A_553, %slice3A_554 : vector<1x512xf32>
    %slice3A_556 = vector.extract_strided_slice %add3A_555 {offsets = [0, 0], sizes = [1, 256], strides = [1, 1]} : vector<1x512xf32> to vector<1x256xf32>
    %slice3A_557 = vector.extract_strided_slice %add3A_555 {offsets = [0, 256], sizes = [1, 256], strides = [1, 1]} : vector<1x512xf32> to vector<1x256xf32>
    %add3A_558 = arith.addf %slice3A_556, %slice3A_557 : vector<1x256xf32>
    %slice3A_559 = vector.extract_strided_slice %get3A_3 {offsets = [29, 0], sizes = [1, 2048], strides = [1, 1]} : vector<32x2048xf32> to vector<1x2048xf32>
    %mul3A_560 = arith.mulf %slice3A_559, %convert_element_type3A_239 : vector<1x2048xf32>
    %slice3A_561 = vector.extract_strided_slice %mul3A_560 {offsets = [0, 0], sizes = [1, 1024], strides = [1, 1]} : vector<1x2048xf32> to vector<1x1024xf32>
    %slice3A_562 = vector.extract_strided_slice %mul3A_560 {offsets = [0, 1024], sizes = [1, 1024], strides = [1, 1]} : vector<1x2048xf32> to vector<1x1024xf32>
    %add3A_563 = arith.addf %slice3A_561, %slice3A_562 : vector<1x1024xf32>
    %slice3A_564 = vector.extract_strided_slice %add3A_563 {offsets = [0, 0], sizes = [1, 512], strides = [1, 1]} : vector<1x1024xf32> to vector<1x512xf32>
    %slice3A_565 = vector.extract_strided_slice %add3A_563 {offsets = [0, 512], sizes = [1, 512], strides = [1, 1]} : vector<1x1024xf32> to vector<1x512xf32>
    %add3A_566 = arith.addf %slice3A_564, %slice3A_565 : vector<1x512xf32>
    %slice3A_567 = vector.extract_strided_slice %add3A_566 {offsets = [0, 0], sizes = [1, 256], strides = [1, 1]} : vector<1x512xf32> to vector<1x256xf32>
    %slice3A_568 = vector.extract_strided_slice %add3A_566 {offsets = [0, 256], sizes = [1, 256], strides = [1, 1]} : vector<1x512xf32> to vector<1x256xf32>
    %add3A_569 = arith.addf %slice3A_567, %slice3A_568 : vector<1x256xf32>
    %slice3A_570 = vector.extract_strided_slice %get3A_3 {offsets = [30, 0], sizes = [1, 2048], strides = [1, 1]} : vector<32x2048xf32> to vector<1x2048xf32>
    %mul3A_571 = arith.mulf %slice3A_570, %convert_element_type3A_239 : vector<1x2048xf32>
    %slice3A_572 = vector.extract_strided_slice %mul3A_571 {offsets = [0, 0], sizes = [1, 1024], strides = [1, 1]} : vector<1x2048xf32> to vector<1x1024xf32>
    %slice3A_573 = vector.extract_strided_slice %mul3A_571 {offsets = [0, 1024], sizes = [1, 1024], strides = [1, 1]} : vector<1x2048xf32> to vector<1x1024xf32>
    %add3A_574 = arith.addf %slice3A_572, %slice3A_573 : vector<1x1024xf32>
    %slice3A_575 = vector.extract_strided_slice %add3A_574 {offsets = [0, 0], sizes = [1, 512], strides = [1, 1]} : vector<1x1024xf32> to vector<1x512xf32>
    %slice3A_576 = vector.extract_strided_slice %add3A_574 {offsets = [0, 512], sizes = [1, 512], strides = [1, 1]} : vector<1x1024xf32> to vector<1x512xf32>
    %add3A_577 = arith.addf %slice3A_575, %slice3A_576 : vector<1x512xf32>
    %slice3A_578 = vector.extract_strided_slice %add3A_577 {offsets = [0, 0], sizes = [1, 256], strides = [1, 1]} : vector<1x512xf32> to vector<1x256xf32>
    %slice3A_579 = vector.extract_strided_slice %add3A_577 {offsets = [0, 256], sizes = [1, 256], strides = [1, 1]} : vector<1x512xf32> to vector<1x256xf32>
    %add3A_580 = arith.addf %slice3A_578, %slice3A_579 : vector<1x256xf32>
    %slice3A_581 = vector.extract_strided_slice %get3A_3 {offsets = [31, 0], sizes = [1, 2048], strides = [1, 1]} : vector<32x2048xf32> to vector<1x2048xf32>
    %mul3A_582 = arith.mulf %slice3A_581, %convert_element_type3A_239 : vector<1x2048xf32>
    %slice3A_583 = vector.extract_strided_slice %mul3A_582 {offsets = [0, 0], sizes = [1, 1024], strides = [1, 1]} : vector<1x2048xf32> to vector<1x1024xf32>
    %slice3A_584 = vector.extract_strided_slice %mul3A_582 {offsets = [0, 1024], sizes = [1, 1024], strides = [1, 1]} : vector<1x2048xf32> to vector<1x1024xf32>
    %add3A_585 = arith.addf %slice3A_583, %slice3A_584 : vector<1x1024xf32>
    %slice3A_586 = vector.extract_strided_slice %add3A_585 {offsets = [0, 0], sizes = [1, 512], strides = [1, 1]} : vector<1x1024xf32> to vector<1x512xf32>
    %slice3A_587 = vector.extract_strided_slice %add3A_585 {offsets = [0, 512], sizes = [1, 512], strides = [1, 1]} : vector<1x1024xf32> to vector<1x512xf32>
    %add3A_588 = arith.addf %slice3A_586, %slice3A_587 : vector<1x512xf32>
    %slice3A_589 = vector.extract_strided_slice %add3A_588 {offsets = [0, 0], sizes = [1, 256], strides = [1, 1]} : vector<1x512xf32> to vector<1x256xf32>
    %slice3A_590 = vector.extract_strided_slice %add3A_588 {offsets = [0, 256], sizes = [1, 256], strides = [1, 1]} : vector<1x512xf32> to vector<1x256xf32>
    %add3A_591 = arith.addf %slice3A_589, %slice3A_590 : vector<1x256xf32>
    %concatenate3A_592 = tpu.concatenate %add3A_250, %add3A_261, %add3A_272, %add3A_283, %add3A_294, %add3A_305, %add3A_316, %add3A_327, %add3A_338, %add3A_349, %add3A_360, %add3A_371, %add3A_382, %add3A_393, %add3A_404, %add3A_415, %add3A_426, %add3A_437, %add3A_448, %add3A_459, %add3A_470, %add3A_481, %add3A_492, %add3A_503, %add3A_514, %add3A_525, %add3A_536, %add3A_547, %add3A_558, %add3A_569, %add3A_580, %add3A_591 in 0 : vector<1x256xf32>, vector<1x256xf32>, vector<1x256xf32>, vector<1x256xf32>, vector<1x256xf32>, vector<1x256xf32>, vector<1x256xf32>, vector<1x256xf32>, vector<1x256xf32>, vector<1x256xf32>, vector<1x256xf32>, vector<1x256xf32>, vector<1x256xf32>, vector<1x256xf32>, vector<1x256xf32>, vector<1x256xf32>, vector<1x256xf32>, vector<1x256xf32>, vector<1x256xf32>, vector<1x256xf32>, vector<1x256xf32>, vector<1x256xf32>, vector<1x256xf32>, vector<1x256xf32>, vector<1x256xf32>, vector<1x256xf32>, vector<1x256xf32>, vector<1x256xf32>, vector<1x256xf32>, vector<1x256xf32>, vector<1x256xf32>, vector<1x256xf32> -> vector<32x256xf32>
    %sub3A_593 = arith.subf %concatenate3A_592, %get3A_13 : vector<32x256xf32>
    %add3A_594 = arith.addf %get3A_13, %sub3A_593 : vector<32x256xf32>
    %swap3A_595 = arith.constant 0 : index
    %swap3A_596 = arith.constant 0 : index
    %swap3A_597 = arith.constant 0 : index
    %swap3A_598 = vector.load %arg4[%swap3A_595, %swap3A_596, %swap3A_597] : memref<2x32x256xf32, #tpu.memory_space<vmem>>, vector<1x32x256xf32>
    %swap3A_599 = vector.shape_cast %swap3A_598 : vector<1x32x256xf32> to vector<32x256xf32>
    %swap3A_600 = vector.shape_cast %add3A_594 : vector<32x256xf32> to vector<1x32x256xf32>
    tpu.vector_store %arg4[%swap3A_595, %swap3A_596, %swap3A_597], %swap3A_600 {strides = array<i32>} : memref<2x32x256xf32, #tpu.memory_space<vmem>>, vector<1x32x256xf32>,
    %mul3A_601 = arith.mulf %sub3A_593, %sub3A_593 : vector<32x256xf32>
    %reduce_sum3A = vector.shape_cast %mul3A_601 : vector<32x256xf32> to vector<1x32x256xf32>
    %reduce_sum3A_602 = arith.constant dense<0.000000e+00> : vector<1xf32>
    %reduce_sum3A_603 = vector.multi_reduction <add>, %reduce_sum3A, %reduce_sum3A_602 [1, 2] : vector<1x32x256xf32> to vector<1xf32>
    %reduce_sum3A_604 = vector.shape_cast %reduce_sum3A_603 : vector<1xf32> to vector<1x1x1xf32>
    %reduce_sum3A_605 = vector.extract %reduce_sum3A_604[0, 0, 0] : f32 from vector<1x1x1xf32>
    %add3A_606 = arith.constant 0.000000e+00 : f32
    %add3A_607 = arith.addf %add3A_606, %reduce_sum3A_605 : f32
    %get3A_608 = arith.constant 1 : index
    %get3A_609 = arith.constant 0 : index
    %get3A_610 = arith.constant 0 : index
    %get3A_611 = vector.load %arg0[%get3A_608, %get3A_609, %get3A_610] : memref<2x32x2048xf32, #tpu.memory_space<vmem>>, vector<1x32x2048xf32>
    %get3A_612 = vector.shape_cast %get3A_611 : vector<1x32x2048xf32> to vector<32x2048xf32>
    %get3A_613 = arith.constant 1 : index
    %get3A_614 = arith.constant 0 : index
    %get3A_615 = arith.constant 0 : index
    %get3A_616 = vector.load %arg1[%get3A_613, %get3A_614, %get3A_615] : memref<2x32x256xf32, #tpu.memory_space<vmem>>, vector<1x32x256xf32>
    %get3A_617 = vector.shape_cast %get3A_616 : vector<1x32x256xf32> to vector<32x256xf32>
    %get3A_618 = arith.constant 1 : index
    %get3A_619 = arith.constant 0 : index
    %get3A_620 = arith.constant 0 : index
    %get3A_621 = vector.load %arg2[%get3A_618, %get3A_619, %get3A_620] : memref<2x32x256xf32, #tpu.memory_space<vmem>>, vector<1x32x256xf32>
    %get3A_622 = vector.shape_cast %get3A_621 : vector<1x32x256xf32> to vector<32x256xf32>
    %get3A_623 = arith.constant 1 : index
    %get3A_624 = arith.constant 0 : index
    %get3A_625 = arith.constant 0 : index
    %get3A_626 = vector.load %arg3[%get3A_623, %get3A_624, %get3A_625] : memref<2x1x2048xi32, #tpu.memory_space<vmem>>, vector<1x1x2048xi32>
    %get3A_627 = vector.shape_cast %get3A_626 : vector<1x1x2048xi32> to vector<1x2048xi32>
    %slice3A_628 = vector.extract_strided_slice %get3A_617 {offsets = [0, 0], sizes = [1, 256], strides = [1, 1]} : vector<32x256xf32> to vector<1x256xf32>
    %concatenate3A_629 = tpu.concatenate %slice3A_628, %slice3A_628, %slice3A_628, %slice3A_628, %slice3A_628, %slice3A_628, %slice3A_628, %slice3A_628 in 1 : vector<1x256xf32>, vector<1x256xf32>, vector<1x256xf32>, vector<1x256xf32>, vector<1x256xf32>, vector<1x256xf32>, vector<1x256xf32>, vector<1x256xf32> -> vector<1x2048xf32>
    %slice3A_630 = vector.extract_strided_slice %get3A_612 {offsets = [0, 0], sizes = [1, 2048], strides = [1, 1]} : vector<32x2048xf32> to vector<1x2048xf32>
    %sub3A_631 = arith.subf %slice3A_630, %concatenate3A_629 : vector<1x2048xf32>
    %mul3A_632 = arith.mulf %sub3A_631, %sub3A_631 : vector<1x2048xf32>
    %slice3A_633 = vector.extract_strided_slice %get3A_617 {offsets = [1, 0], sizes = [1, 256], strides = [1, 1]} : vector<32x256xf32> to vector<1x256xf32>
    %concatenate3A_634 = tpu.concatenate %slice3A_633, %slice3A_633, %slice3A_633, %slice3A_633, %slice3A_633, %slice3A_633, %slice3A_633, %slice3A_633 in 1 : vector<1x256xf32>, vector<1x256xf32>, vector<1x256xf32>, vector<1x256xf32>, vector<1x256xf32>, vector<1x256xf32>, vector<1x256xf32>, vector<1x256xf32> -> vector<1x2048xf32>
    %slice3A_635 = vector.extract_strided_slice %get3A_612 {offsets = [1, 0], sizes = [1, 2048], strides = [1, 1]} : vector<32x2048xf32> to vector<1x2048xf32>
    %sub3A_636 = arith.subf %slice3A_635, %concatenate3A_634 : vector<1x2048xf32>
    %mul3A_637 = arith.mulf %sub3A_636, %sub3A_636 : vector<1x2048xf32>
    %add3A_638 = arith.addf %mul3A_632, %mul3A_637 : vector<1x2048xf32>
    %slice3A_639 = vector.extract_strided_slice %get3A_617 {offsets = [2, 0], sizes = [1, 256], strides = [1, 1]} : vector<32x256xf32> to vector<1x256xf32>
    %concatenate3A_640 = tpu.concatenate %slice3A_639, %slice3A_639, %slice3A_639, %slice3A_639, %slice3A_639, %slice3A_639, %slice3A_639, %slice3A_639 in 1 : vector<1x256xf32>, vector<1x256xf32>, vector<1x256xf32>, vector<1x256xf32>, vector<1x256xf32>, vector<1x256xf32>, vector<1x256xf32>, vector<1x256xf32> -> vector<1x2048xf32>
    %slice3A_641 = vector.extract_strided_slice %get3A_612 {offsets = [2, 0], sizes = [1, 2048], strides = [1, 1]} : vector<32x2048xf32> to vector<1x2048xf32>
    %sub3A_642 = arith.subf %slice3A_641, %concatenate3A_640 : vector<1x2048xf32>
    %mul3A_643 = arith.mulf %sub3A_642, %sub3A_642 : vector<1x2048xf32>
    %add3A_644 = arith.addf %add3A_638, %mul3A_643 : vector<1x2048xf32>
    %slice3A_645 = vector.extract_strided_slice %get3A_617 {offsets = [3, 0], sizes = [1, 256], strides = [1, 1]} : vector<32x256xf32> to vector<1x256xf32>
    %concatenate3A_646 = tpu.concatenate %slice3A_645, %slice3A_645, %slice3A_645, %slice3A_645, %slice3A_645, %slice3A_645, %slice3A_645, %slice3A_645 in 1 : vector<1x256xf32>, vector<1x256xf32>, vector<1x256xf32>, vector<1x256xf32>, vector<1x256xf32>, vector<1x256xf32>, vector<1x256xf32>, vector<1x256xf32> -> vector<1x2048xf32>
    %slice3A_647 = vector.extract_strided_slice %get3A_612 {offsets = [3, 0], sizes = [1, 2048], strides = [1, 1]} : vector<32x2048xf32> to vector<1x2048xf32>
    %sub3A_648 = arith.subf %slice3A_647, %concatenate3A_646 : vector<1x2048xf32>
    %mul3A_649 = arith.mulf %sub3A_648, %sub3A_648 : vector<1x2048xf32>
    %add3A_650 = arith.addf %add3A_644, %mul3A_649 : vector<1x2048xf32>
    %slice3A_651 = vector.extract_strided_slice %get3A_617 {offsets = [4, 0], sizes = [1, 256], strides = [1, 1]} : vector<32x256xf32> to vector<1x256xf32>
    %concatenate3A_652 = tpu.concatenate %slice3A_651, %slice3A_651, %slice3A_651, %slice3A_651, %slice3A_651, %slice3A_651, %slice3A_651, %slice3A_651 in 1 : vector<1x256xf32>, vector<1x256xf32>, vector<1x256xf32>, vector<1x256xf32>, vector<1x256xf32>, vector<1x256xf32>, vector<1x256xf32>, vector<1x256xf32> -> vector<1x2048xf32>
    %slice3A_653 = vector.extract_strided_slice %get3A_612 {offsets = [4, 0], sizes = [1, 2048], strides = [1, 1]} : vector<32x2048xf32> to vector<1x2048xf32>
    %sub3A_654 = arith.subf %slice3A_653, %concatenate3A_652 : vector<1x2048xf32>
    %mul3A_655 = arith.mulf %sub3A_654, %sub3A_654 : vector<1x2048xf32>
    %add3A_656 = arith.addf %add3A_650, %mul3A_655 : vector<1x2048xf32>
    %slice3A_657 = vector.extract_strided_slice %get3A_617 {offsets = [5, 0], sizes = [1, 256], strides = [1, 1]} : vector<32x256xf32> to vector<1x256xf32>
    %concatenate3A_658 = tpu.concatenate %slice3A_657, %slice3A_657, %slice3A_657, %slice3A_657, %slice3A_657, %slice3A_657, %slice3A_657, %slice3A_657 in 1 : vector<1x256xf32>, vector<1x256xf32>, vector<1x256xf32>, vector<1x256xf32>, vector<1x256xf32>, vector<1x256xf32>, vector<1x256xf32>, vector<1x256xf32> -> vector<1x2048xf32>
    %slice3A_659 = vector.extract_strided_slice %get3A_612 {offsets = [5, 0], sizes = [1, 2048], strides = [1, 1]} : vector<32x2048xf32> to vector<1x2048xf32>
    %sub3A_660 = arith.subf %slice3A_659, %concatenate3A_658 : vector<1x2048xf32>
    %mul3A_661 = arith.mulf %sub3A_660, %sub3A_660 : vector<1x2048xf32>
    %add3A_662 = arith.addf %add3A_656, %mul3A_661 : vector<1x2048xf32>
    %slice3A_663 = vector.extract_strided_slice %get3A_617 {offsets = [6, 0], sizes = [1, 256], strides = [1, 1]} : vector<32x256xf32> to vector<1x256xf32>
    %concatenate3A_664 = tpu.concatenate %slice3A_663, %slice3A_663, %slice3A_663, %slice3A_663, %slice3A_663, %slice3A_663, %slice3A_663, %slice3A_663 in 1 : vector<1x256xf32>, vector<1x256xf32>, vector<1x256xf32>, vector<1x256xf32>, vector<1x256xf32>, vector<1x256xf32>, vector<1x256xf32>, vector<1x256xf32> -> vector<1x2048xf32>
    %slice3A_665 = vector.extract_strided_slice %get3A_612 {offsets = [6, 0], sizes = [1, 2048], strides = [1, 1]} : vector<32x2048xf32> to vector<1x2048xf32>
    %sub3A_666 = arith.subf %slice3A_665, %concatenate3A_664 : vector<1x2048xf32>
    %mul3A_667 = arith.mulf %sub3A_666, %sub3A_666 : vector<1x2048xf32>
    %add3A_668 = arith.addf %add3A_662, %mul3A_667 : vector<1x2048xf32>
    %slice3A_669 = vector.extract_strided_slice %get3A_617 {offsets = [7, 0], sizes = [1, 256], strides = [1, 1]} : vector<32x256xf32> to vector<1x256xf32>
    %concatenate3A_670 = tpu.concatenate %slice3A_669, %slice3A_669, %slice3A_669, %slice3A_669, %slice3A_669, %slice3A_669, %slice3A_669, %slice3A_669 in 1 : vector<1x256xf32>, vector<1x256xf32>, vector<1x256xf32>, vector<1x256xf32>, vector<1x256xf32>, vector<1x256xf32>, vector<1x256xf32>, vector<1x256xf32> -> vector<1x2048xf32>
    %slice3A_671 = vector.extract_strided_slice %get3A_612 {offsets = [7, 0], sizes = [1, 2048], strides = [1, 1]} : vector<32x2048xf32> to vector<1x2048xf32>
    %sub3A_672 = arith.subf %slice3A_671, %concatenate3A_670 : vector<1x2048xf32>
    %mul3A_673 = arith.mulf %sub3A_672, %sub3A_672 : vector<1x2048xf32>
    %add3A_674 = arith.addf %add3A_668, %mul3A_673 : vector<1x2048xf32>
    %slice3A_675 = vector.extract_strided_slice %get3A_617 {offsets = [8, 0], sizes = [1, 256], strides = [1, 1]} : vector<32x256xf32> to vector<1x256xf32>
    %concatenate3A_676 = tpu.concatenate %slice3A_675, %slice3A_675, %slice3A_675, %slice3A_675, %slice3A_675, %slice3A_675, %slice3A_675, %slice3A_675 in 1 : vector<1x256xf32>, vector<1x256xf32>, vector<1x256xf32>, vector<1x256xf32>, vector<1x256xf32>, vector<1x256xf32>, vector<1x256xf32>, vector<1x256xf32> -> vector<1x2048xf32>
    %slice3A_677 = vector.extract_strided_slice %get3A_612 {offsets = [8, 0], sizes = [1, 2048], strides = [1, 1]} : vector<32x2048xf32> to vector<1x2048xf32>
    %sub3A_678 = arith.subf %slice3A_677, %concatenate3A_676 : vector<1x2048xf32>
    %mul3A_679 = arith.mulf %sub3A_678, %sub3A_678 : vector<1x2048xf32>
    %add3A_680 = arith.addf %add3A_674, %mul3A_679 : vector<1x2048xf32>
    %slice3A_681 = vector.extract_strided_slice %get3A_617 {offsets = [9, 0], sizes = [1, 256], strides = [1, 1]} : vector<32x256xf32> to vector<1x256xf32>
    %concatenate3A_682 = tpu.concatenate %slice3A_681, %slice3A_681, %slice3A_681, %slice3A_681, %slice3A_681, %slice3A_681, %slice3A_681, %slice3A_681 in 1 : vector<1x256xf32>, vector<1x256xf32>, vector<1x256xf32>, vector<1x256xf32>, vector<1x256xf32>, vector<1x256xf32>, vector<1x256xf32>, vector<1x256xf32> -> vector<1x2048xf32>
    %slice3A_683 = vector.extract_strided_slice %get3A_612 {offsets = [9, 0], sizes = [1, 2048], strides = [1, 1]} : vector<32x2048xf32> to vector<1x2048xf32>
    %sub3A_684 = arith.subf %slice3A_683, %concatenate3A_682 : vector<1x2048xf32>
    %mul3A_685 = arith.mulf %sub3A_684, %sub3A_684 : vector<1x2048xf32>
    %add3A_686 = arith.addf %add3A_680, %mul3A_685 : vector<1x2048xf32>
    %slice3A_687 = vector.extract_strided_slice %get3A_617 {offsets = [10, 0], sizes = [1, 256], strides = [1, 1]} : vector<32x256xf32> to vector<1x256xf32>
    %concatenate3A_688 = tpu.concatenate %slice3A_687, %slice3A_687, %slice3A_687, %slice3A_687, %slice3A_687, %slice3A_687, %slice3A_687, %slice3A_687 in 1 : vector<1x256xf32>, vector<1x256xf32>, vector<1x256xf32>, vector<1x256xf32>, vector<1x256xf32>, vector<1x256xf32>, vector<1x256xf32>, vector<1x256xf32> -> vector<1x2048xf32>
    %slice3A_689 = vector.extract_strided_slice %get3A_612 {offsets = [10, 0], sizes = [1, 2048], strides = [1, 1]} : vector<32x2048xf32> to vector<1x2048xf32>
    %sub3A_690 = arith.subf %slice3A_689, %concatenate3A_688 : vector<1x2048xf32>
    %mul3A_691 = arith.mulf %sub3A_690, %sub3A_690 : vector<1x2048xf32>
    %add3A_692 = arith.addf %add3A_686, %mul3A_691 : vector<1x2048xf32>
    %slice3A_693 = vector.extract_strided_slice %get3A_617 {offsets = [11, 0], sizes = [1, 256], strides = [1, 1]} : vector<32x256xf32> to vector<1x256xf32>
    %concatenate3A_694 = tpu.concatenate %slice3A_693, %slice3A_693, %slice3A_693, %slice3A_693, %slice3A_693, %slice3A_693, %slice3A_693, %slice3A_693 in 1 : vector<1x256xf32>, vector<1x256xf32>, vector<1x256xf32>, vector<1x256xf32>, vector<1x256xf32>, vector<1x256xf32>, vector<1x256xf32>, vector<1x256xf32> -> vector<1x2048xf32>
    %slice3A_695 = vector.extract_strided_slice %get3A_612 {offsets = [11, 0], sizes = [1, 2048], strides = [1, 1]} : vector<32x2048xf32> to vector<1x2048xf32>
    %sub3A_696 = arith.subf %slice3A_695, %concatenate3A_694 : vector<1x2048xf32>
    %mul3A_697 = arith.mulf %sub3A_696, %sub3A_696 : vector<1x2048xf32>
    %add3A_698 = arith.addf %add3A_692, %mul3A_697 : vector<1x2048xf32>
    %slice3A_699 = vector.extract_strided_slice %get3A_617 {offsets = [12, 0], sizes = [1, 256], strides = [1, 1]} : vector<32x256xf32> to vector<1x256xf32>
    %concatenate3A_700 = tpu.concatenate %slice3A_699, %slice3A_699, %slice3A_699, %slice3A_699, %slice3A_699, %slice3A_699, %slice3A_699, %slice3A_699 in 1 : vector<1x256xf32>, vector<1x256xf32>, vector<1x256xf32>, vector<1x256xf32>, vector<1x256xf32>, vector<1x256xf32>, vector<1x256xf32>, vector<1x256xf32> -> vector<1x2048xf32>
    %slice3A_701 = vector.extract_strided_slice %get3A_612 {offsets = [12, 0], sizes = [1, 2048], strides = [1, 1]} : vector<32x2048xf32> to vector<1x2048xf32>
    %sub3A_702 = arith.subf %slice3A_701, %concatenate3A_700 : vector<1x2048xf32>
    %mul3A_703 = arith.mulf %sub3A_702, %sub3A_702 : vector<1x2048xf32>
    %add3A_704 = arith.addf %add3A_698, %mul3A_703 : vector<1x2048xf32>
    %slice3A_705 = vector.extract_strided_slice %get3A_617 {offsets = [13, 0], sizes = [1, 256], strides = [1, 1]} : vector<32x256xf32> to vector<1x256xf32>
    %concatenate3A_706 = tpu.concatenate %slice3A_705, %slice3A_705, %slice3A_705, %slice3A_705, %slice3A_705, %slice3A_705, %slice3A_705, %slice3A_705 in 1 : vector<1x256xf32>, vector<1x256xf32>, vector<1x256xf32>, vector<1x256xf32>, vector<1x256xf32>, vector<1x256xf32>, vector<1x256xf32>, vector<1x256xf32> -> vector<1x2048xf32>
    %slice3A_707 = vector.extract_strided_slice %get3A_612 {offsets = [13, 0], sizes = [1, 2048], strides = [1, 1]} : vector<32x2048xf32> to vector<1x2048xf32>
    %sub3A_708 = arith.subf %slice3A_707, %concatenate3A_706 : vector<1x2048xf32>
    %mul3A_709 = arith.mulf %sub3A_708, %sub3A_708 : vector<1x2048xf32>
    %add3A_710 = arith.addf %add3A_704, %mul3A_709 : vector<1x2048xf32>
    %slice3A_711 = vector.extract_strided_slice %get3A_617 {offsets = [14, 0], sizes = [1, 256], strides = [1, 1]} : vector<32x256xf32> to vector<1x256xf32>
    %concatenate3A_712 = tpu.concatenate %slice3A_711, %slice3A_711, %slice3A_711, %slice3A_711, %slice3A_711, %slice3A_711, %slice3A_711, %slice3A_711 in 1 : vector<1x256xf32>, vector<1x256xf32>, vector<1x256xf32>, vector<1x256xf32>, vector<1x256xf32>, vector<1x256xf32>, vector<1x256xf32>, vector<1x256xf32> -> vector<1x2048xf32>
    %slice3A_713 = vector.extract_strided_slice %get3A_612 {offsets = [14, 0], sizes = [1, 2048], strides = [1, 1]} : vector<32x2048xf32> to vector<1x2048xf32>
    %sub3A_714 = arith.subf %slice3A_713, %concatenate3A_712 : vector<1x2048xf32>
    %mul3A_715 = arith.mulf %sub3A_714, %sub3A_714 : vector<1x2048xf32>
    %add3A_716 = arith.addf %add3A_710, %mul3A_715 : vector<1x2048xf32>
    %slice3A_717 = vector.extract_strided_slice %get3A_617 {offsets = [15, 0], sizes = [1, 256], strides = [1, 1]} : vector<32x256xf32> to vector<1x256xf32>
    %concatenate3A_718 = tpu.concatenate %slice3A_717, %slice3A_717, %slice3A_717, %slice3A_717, %slice3A_717, %slice3A_717, %slice3A_717, %slice3A_717 in 1 : vector<1x256xf32>, vector<1x256xf32>, vector<1x256xf32>, vector<1x256xf32>, vector<1x256xf32>, vector<1x256xf32>, vector<1x256xf32>, vector<1x256xf32> -> vector<1x2048xf32>
    %slice3A_719 = vector.extract_strided_slice %get3A_612 {offsets = [15, 0], sizes = [1, 2048], strides = [1, 1]} : vector<32x2048xf32> to vector<1x2048xf32>
    %sub3A_720 = arith.subf %slice3A_719, %concatenate3A_718 : vector<1x2048xf32>
    %mul3A_721 = arith.mulf %sub3A_720, %sub3A_720 : vector<1x2048xf32>
    %add3A_722 = arith.addf %add3A_716, %mul3A_721 : vector<1x2048xf32>
    %slice3A_723 = vector.extract_strided_slice %get3A_617 {offsets = [16, 0], sizes = [1, 256], strides = [1, 1]} : vector<32x256xf32> to vector<1x256xf32>
    %concatenate3A_724 = tpu.concatenate %slice3A_723, %slice3A_723, %slice3A_723, %slice3A_723, %slice3A_723, %slice3A_723, %slice3A_723, %slice3A_723 in 1 : vector<1x256xf32>, vector<1x256xf32>, vector<1x256xf32>, vector<1x256xf32>, vector<1x256xf32>, vector<1x256xf32>, vector<1x256xf32>, vector<1x256xf32> -> vector<1x2048xf32>
    %slice3A_725 = vector.extract_strided_slice %get3A_612 {offsets = [16, 0], sizes = [1, 2048], strides = [1, 1]} : vector<32x2048xf32> to vector<1x2048xf32>
    %sub3A_726 = arith.subf %slice3A_725, %concatenate3A_724 : vector<1x2048xf32>
    %mul3A_727 = arith.mulf %sub3A_726, %sub3A_726 : vector<1x2048xf32>
    %add3A_728 = arith.addf %add3A_722, %mul3A_727 : vector<1x2048xf32>
    %slice3A_729 = vector.extract_strided_slice %get3A_617 {offsets = [17, 0], sizes = [1, 256], strides = [1, 1]} : vector<32x256xf32> to vector<1x256xf32>
    %concatenate3A_730 = tpu.concatenate %slice3A_729, %slice3A_729, %slice3A_729, %slice3A_729, %slice3A_729, %slice3A_729, %slice3A_729, %slice3A_729 in 1 : vector<1x256xf32>, vector<1x256xf32>, vector<1x256xf32>, vector<1x256xf32>, vector<1x256xf32>, vector<1x256xf32>, vector<1x256xf32>, vector<1x256xf32> -> vector<1x2048xf32>
    %slice3A_731 = vector.extract_strided_slice %get3A_612 {offsets = [17, 0], sizes = [1, 2048], strides = [1, 1]} : vector<32x2048xf32> to vector<1x2048xf32>
    %sub3A_732 = arith.subf %slice3A_731, %concatenate3A_730 : vector<1x2048xf32>
    %mul3A_733 = arith.mulf %sub3A_732, %sub3A_732 : vector<1x2048xf32>
    %add3A_734 = arith.addf %add3A_728, %mul3A_733 : vector<1x2048xf32>
    %slice3A_735 = vector.extract_strided_slice %get3A_617 {offsets = [18, 0], sizes = [1, 256], strides = [1, 1]} : vector<32x256xf32> to vector<1x256xf32>
    %concatenate3A_736 = tpu.concatenate %slice3A_735, %slice3A_735, %slice3A_735, %slice3A_735, %slice3A_735, %slice3A_735, %slice3A_735, %slice3A_735 in 1 : vector<1x256xf32>, vector<1x256xf32>, vector<1x256xf32>, vector<1x256xf32>, vector<1x256xf32>, vector<1x256xf32>, vector<1x256xf32>, vector<1x256xf32> -> vector<1x2048xf32>
    %slice3A_737 = vector.extract_strided_slice %get3A_612 {offsets = [18, 0], sizes = [1, 2048], strides = [1, 1]} : vector<32x2048xf32> to vector<1x2048xf32>
    %sub3A_738 = arith.subf %slice3A_737, %concatenate3A_736 : vector<1x2048xf32>
    %mul3A_739 = arith.mulf %sub3A_738, %sub3A_738 : vector<1x2048xf32>
    %add3A_740 = arith.addf %add3A_734, %mul3A_739 : vector<1x2048xf32>
    %slice3A_741 = vector.extract_strided_slice %get3A_617 {offsets = [19, 0], sizes = [1, 256], strides = [1, 1]} : vector<32x256xf32> to vector<1x256xf32>
    %concatenate3A_742 = tpu.concatenate %slice3A_741, %slice3A_741, %slice3A_741, %slice3A_741, %slice3A_741, %slice3A_741, %slice3A_741, %slice3A_741 in 1 : vector<1x256xf32>, vector<1x256xf32>, vector<1x256xf32>, vector<1x256xf32>, vector<1x256xf32>, vector<1x256xf32>, vector<1x256xf32>, vector<1x256xf32> -> vector<1x2048xf32>
    %slice3A_743 = vector.extract_strided_slice %get3A_612 {offsets = [19, 0], sizes = [1, 2048], strides = [1, 1]} : vector<32x2048xf32> to vector<1x2048xf32>
    %sub3A_744 = arith.subf %slice3A_743, %concatenate3A_742 : vector<1x2048xf32>
    %mul3A_745 = arith.mulf %sub3A_744, %sub3A_744 : vector<1x2048xf32>
    %add3A_746 = arith.addf %add3A_740, %mul3A_745 : vector<1x2048xf32>
    %slice3A_747 = vector.extract_strided_slice %get3A_617 {offsets = [20, 0], sizes = [1, 256], strides = [1, 1]} : vector<32x256xf32> to vector<1x256xf32>
    %concatenate3A_748 = tpu.concatenate %slice3A_747, %slice3A_747, %slice3A_747, %slice3A_747, %slice3A_747, %slice3A_747, %slice3A_747, %slice3A_747 in 1 : vector<1x256xf32>, vector<1x256xf32>, vector<1x256xf32>, vector<1x256xf32>, vector<1x256xf32>, vector<1x256xf32>, vector<1x256xf32>, vector<1x256xf32> -> vector<1x2048xf32>
    %slice3A_749 = vector.extract_strided_slice %get3A_612 {offsets = [20, 0], sizes = [1, 2048], strides = [1, 1]} : vector<32x2048xf32> to vector<1x2048xf32>
    %sub3A_750 = arith.subf %slice3A_749, %concatenate3A_748 : vector<1x2048xf32>
    %mul3A_751 = arith.mulf %sub3A_750, %sub3A_750 : vector<1x2048xf32>
    %add3A_752 = arith.addf %add3A_746, %mul3A_751 : vector<1x2048xf32>
    %slice3A_753 = vector.extract_strided_slice %get3A_617 {offsets = [21, 0], sizes = [1, 256], strides = [1, 1]} : vector<32x256xf32> to vector<1x256xf32>
    %concatenate3A_754 = tpu.concatenate %slice3A_753, %slice3A_753, %slice3A_753, %slice3A_753, %slice3A_753, %slice3A_753, %slice3A_753, %slice3A_753 in 1 : vector<1x256xf32>, vector<1x256xf32>, vector<1x256xf32>, vector<1x256xf32>, vector<1x256xf32>, vector<1x256xf32>, vector<1x256xf32>, vector<1x256xf32> -> vector<1x2048xf32>
    %slice3A_755 = vector.extract_strided_slice %get3A_612 {offsets = [21, 0], sizes = [1, 2048], strides = [1, 1]} : vector<32x2048xf32> to vector<1x2048xf32>
    %sub3A_756 = arith.subf %slice3A_755, %concatenate3A_754 : vector<1x2048xf32>
    %mul3A_757 = arith.mulf %sub3A_756, %sub3A_756 : vector<1x2048xf32>
    %add3A_758 = arith.addf %add3A_752, %mul3A_757 : vector<1x2048xf32>
    %slice3A_759 = vector.extract_strided_slice %get3A_617 {offsets = [22, 0], sizes = [1, 256], strides = [1, 1]} : vector<32x256xf32> to vector<1x256xf32>
    %concatenate3A_760 = tpu.concatenate %slice3A_759, %slice3A_759, %slice3A_759, %slice3A_759, %slice3A_759, %slice3A_759, %slice3A_759, %slice3A_759 in 1 : vector<1x256xf32>, vector<1x256xf32>, vector<1x256xf32>, vector<1x256xf32>, vector<1x256xf32>, vector<1x256xf32>, vector<1x256xf32>, vector<1x256xf32> -> vector<1x2048xf32>
    %slice3A_761 = vector.extract_strided_slice %get3A_612 {offsets = [22, 0], sizes = [1, 2048], strides = [1, 1]} : vector<32x2048xf32> to vector<1x2048xf32>
    %sub3A_762 = arith.subf %slice3A_761, %concatenate3A_760 : vector<1x2048xf32>
    %mul3A_763 = arith.mulf %sub3A_762, %sub3A_762 : vector<1x2048xf32>
    %add3A_764 = arith.addf %add3A_758, %mul3A_763 : vector<1x2048xf32>
    %slice3A_765 = vector.extract_strided_slice %get3A_617 {offsets = [23, 0], sizes = [1, 256], strides = [1, 1]} : vector<32x256xf32> to vector<1x256xf32>
    %concatenate3A_766 = tpu.concatenate %slice3A_765, %slice3A_765, %slice3A_765, %slice3A_765, %slice3A_765, %slice3A_765, %slice3A_765, %slice3A_765 in 1 : vector<1x256xf32>, vector<1x256xf32>, vector<1x256xf32>, vector<1x256xf32>, vector<1x256xf32>, vector<1x256xf32>, vector<1x256xf32>, vector<1x256xf32> -> vector<1x2048xf32>
    %slice3A_767 = vector.extract_strided_slice %get3A_612 {offsets = [23, 0], sizes = [1, 2048], strides = [1, 1]} : vector<32x2048xf32> to vector<1x2048xf32>
    %sub3A_768 = arith.subf %slice3A_767, %concatenate3A_766 : vector<1x2048xf32>
    %mul3A_769 = arith.mulf %sub3A_768, %sub3A_768 : vector<1x2048xf32>
    %add3A_770 = arith.addf %add3A_764, %mul3A_769 : vector<1x2048xf32>
    %slice3A_771 = vector.extract_strided_slice %get3A_617 {offsets = [24, 0], sizes = [1, 256], strides = [1, 1]} : vector<32x256xf32> to vector<1x256xf32>
    %concatenate3A_772 = tpu.concatenate %slice3A_771, %slice3A_771, %slice3A_771, %slice3A_771, %slice3A_771, %slice3A_771, %slice3A_771, %slice3A_771 in 1 : vector<1x256xf32>, vector<1x256xf32>, vector<1x256xf32>, vector<1x256xf32>, vector<1x256xf32>, vector<1x256xf32>, vector<1x256xf32>, vector<1x256xf32> -> vector<1x2048xf32>
    %slice3A_773 = vector.extract_strided_slice %get3A_612 {offsets = [24, 0], sizes = [1, 2048], strides = [1, 1]} : vector<32x2048xf32> to vector<1x2048xf32>
    %sub3A_774 = arith.subf %slice3A_773, %concatenate3A_772 : vector<1x2048xf32>
    %mul3A_775 = arith.mulf %sub3A_774, %sub3A_774 : vector<1x2048xf32>
    %add3A_776 = arith.addf %add3A_770, %mul3A_775 : vector<1x2048xf32>
    %slice3A_777 = vector.extract_strided_slice %get3A_617 {offsets = [25, 0], sizes = [1, 256], strides = [1, 1]} : vector<32x256xf32> to vector<1x256xf32>
    %concatenate3A_778 = tpu.concatenate %slice3A_777, %slice3A_777, %slice3A_777, %slice3A_777, %slice3A_777, %slice3A_777, %slice3A_777, %slice3A_777 in 1 : vector<1x256xf32>, vector<1x256xf32>, vector<1x256xf32>, vector<1x256xf32>, vector<1x256xf32>, vector<1x256xf32>, vector<1x256xf32>, vector<1x256xf32> -> vector<1x2048xf32>
    %slice3A_779 = vector.extract_strided_slice %get3A_612 {offsets = [25, 0], sizes = [1, 2048], strides = [1, 1]} : vector<32x2048xf32> to vector<1x2048xf32>
    %sub3A_780 = arith.subf %slice3A_779, %concatenate3A_778 : vector<1x2048xf32>
    %mul3A_781 = arith.mulf %sub3A_780, %sub3A_780 : vector<1x2048xf32>
    %add3A_782 = arith.addf %add3A_776, %mul3A_781 : vector<1x2048xf32>
    %slice3A_783 = vector.extract_strided_slice %get3A_617 {offsets = [26, 0], sizes = [1, 256], strides = [1, 1]} : vector<32x256xf32> to vector<1x256xf32>
    %concatenate3A_784 = tpu.concatenate %slice3A_783, %slice3A_783, %slice3A_783, %slice3A_783, %slice3A_783, %slice3A_783, %slice3A_783, %slice3A_783 in 1 : vector<1x256xf32>, vector<1x256xf32>, vector<1x256xf32>, vector<1x256xf32>, vector<1x256xf32>, vector<1x256xf32>, vector<1x256xf32>, vector<1x256xf32> -> vector<1x2048xf32>
    %slice3A_785 = vector.extract_strided_slice %get3A_612 {offsets = [26, 0], sizes = [1, 2048], strides = [1, 1]} : vector<32x2048xf32> to vector<1x2048xf32>
    %sub3A_786 = arith.subf %slice3A_785, %concatenate3A_784 : vector<1x2048xf32>
    %mul3A_787 = arith.mulf %sub3A_786, %sub3A_786 : vector<1x2048xf32>
    %add3A_788 = arith.addf %add3A_782, %mul3A_787 : vector<1x2048xf32>
    %slice3A_789 = vector.extract_strided_slice %get3A_617 {offsets = [27, 0], sizes = [1, 256], strides = [1, 1]} : vector<32x256xf32> to vector<1x256xf32>
    %concatenate3A_790 = tpu.concatenate %slice3A_789, %slice3A_789, %slice3A_789, %slice3A_789, %slice3A_789, %slice3A_789, %slice3A_789, %slice3A_789 in 1 : vector<1x256xf32>, vector<1x256xf32>, vector<1x256xf32>, vector<1x256xf32>, vector<1x256xf32>, vector<1x256xf32>, vector<1x256xf32>, vector<1x256xf32> -> vector<1x2048xf32>
    %slice3A_791 = vector.extract_strided_slice %get3A_612 {offsets = [27, 0], sizes = [1, 2048], strides = [1, 1]} : vector<32x2048xf32> to vector<1x2048xf32>
    %sub3A_792 = arith.subf %slice3A_791, %concatenate3A_790 : vector<1x2048xf32>
    %mul3A_793 = arith.mulf %sub3A_792, %sub3A_792 : vector<1x2048xf32>
    %add3A_794 = arith.addf %add3A_788, %mul3A_793 : vector<1x2048xf32>
    %slice3A_795 = vector.extract_strided_slice %get3A_617 {offsets = [28, 0], sizes = [1, 256], strides = [1, 1]} : vector<32x256xf32> to vector<1x256xf32>
    %concatenate3A_796 = tpu.concatenate %slice3A_795, %slice3A_795, %slice3A_795, %slice3A_795, %slice3A_795, %slice3A_795, %slice3A_795, %slice3A_795 in 1 : vector<1x256xf32>, vector<1x256xf32>, vector<1x256xf32>, vector<1x256xf32>, vector<1x256xf32>, vector<1x256xf32>, vector<1x256xf32>, vector<1x256xf32> -> vector<1x2048xf32>
    %slice3A_797 = vector.extract_strided_slice %get3A_612 {offsets = [28, 0], sizes = [1, 2048], strides = [1, 1]} : vector<32x2048xf32> to vector<1x2048xf32>
    %sub3A_798 = arith.subf %slice3A_797, %concatenate3A_796 : vector<1x2048xf32>
    %mul3A_799 = arith.mulf %sub3A_798, %sub3A_798 : vector<1x2048xf32>
    %add3A_800 = arith.addf %add3A_794, %mul3A_799 : vector<1x2048xf32>
    %slice3A_801 = vector.extract_strided_slice %get3A_617 {offsets = [29, 0], sizes = [1, 256], strides = [1, 1]} : vector<32x256xf32> to vector<1x256xf32>
    %concatenate3A_802 = tpu.concatenate %slice3A_801, %slice3A_801, %slice3A_801, %slice3A_801, %slice3A_801, %slice3A_801, %slice3A_801, %slice3A_801 in 1 : vector<1x256xf32>, vector<1x256xf32>, vector<1x256xf32>, vector<1x256xf32>, vector<1x256xf32>, vector<1x256xf32>, vector<1x256xf32>, vector<1x256xf32> -> vector<1x2048xf32>
    %slice3A_803 = vector.extract_strided_slice %get3A_612 {offsets = [29, 0], sizes = [1, 2048], strides = [1, 1]} : vector<32x2048xf32> to vector<1x2048xf32>
    %sub3A_804 = arith.subf %slice3A_803, %concatenate3A_802 : vector<1x2048xf32>
    %mul3A_805 = arith.mulf %sub3A_804, %sub3A_804 : vector<1x2048xf32>
    %add3A_806 = arith.addf %add3A_800, %mul3A_805 : vector<1x2048xf32>
    %slice3A_807 = vector.extract_strided_slice %get3A_617 {offsets = [30, 0], sizes = [1, 256], strides = [1, 1]} : vector<32x256xf32> to vector<1x256xf32>
    %concatenate3A_808 = tpu.concatenate %slice3A_807, %slice3A_807, %slice3A_807, %slice3A_807, %slice3A_807, %slice3A_807, %slice3A_807, %slice3A_807 in 1 : vector<1x256xf32>, vector<1x256xf32>, vector<1x256xf32>, vector<1x256xf32>, vector<1x256xf32>, vector<1x256xf32>, vector<1x256xf32>, vector<1x256xf32> -> vector<1x2048xf32>
    %slice3A_809 = vector.extract_strided_slice %get3A_612 {offsets = [30, 0], sizes = [1, 2048], strides = [1, 1]} : vector<32x2048xf32> to vector<1x2048xf32>
    %sub3A_810 = arith.subf %slice3A_809, %concatenate3A_808 : vector<1x2048xf32>
    %mul3A_811 = arith.mulf %sub3A_810, %sub3A_810 : vector<1x2048xf32>
    %add3A_812 = arith.addf %add3A_806, %mul3A_811 : vector<1x2048xf32>
    %slice3A_813 = vector.extract_strided_slice %get3A_617 {offsets = [31, 0], sizes = [1, 256], strides = [1, 1]} : vector<32x256xf32> to vector<1x256xf32>
    %concatenate3A_814 = tpu.concatenate %slice3A_813, %slice3A_813, %slice3A_813, %slice3A_813, %slice3A_813, %slice3A_813, %slice3A_813, %slice3A_813 in 1 : vector<1x256xf32>, vector<1x256xf32>, vector<1x256xf32>, vector<1x256xf32>, vector<1x256xf32>, vector<1x256xf32>, vector<1x256xf32>, vector<1x256xf32> -> vector<1x2048xf32>
    %slice3A_815 = vector.extract_strided_slice %get3A_612 {offsets = [31, 0], sizes = [1, 2048], strides = [1, 1]} : vector<32x2048xf32> to vector<1x2048xf32>
    %sub3A_816 = arith.subf %slice3A_815, %concatenate3A_814 : vector<1x2048xf32>
    %mul3A_817 = arith.mulf %sub3A_816, %sub3A_816 : vector<1x2048xf32>
    %add3A_818 = arith.addf %add3A_812, %mul3A_817 : vector<1x2048xf32>
    %slice3A_819 = vector.extract_strided_slice %add3A_818 {offsets = [0, 0], sizes = [1, 1024], strides = [1, 1]} : vector<1x2048xf32> to vector<1x1024xf32>
    %slice3A_820 = vector.extract_strided_slice %add3A_818 {offsets = [0, 1024], sizes = [1, 1024], strides = [1, 1]} : vector<1x2048xf32> to vector<1x1024xf32>
    %slice3A_821 = vector.extract_strided_slice %get3A_627 {offsets = [0, 0], sizes = [1, 1024], strides = [1, 1]} : vector<1x2048xi32> to vector<1x1024xi32>
    %slice3A_822 = vector.extract_strided_slice %get3A_627 {offsets = [0, 1024], sizes = [1, 1024], strides = [1, 1]} : vector<1x2048xi32> to vector<1x1024xi32>
    %lt3A_823 = arith.cmpf olt, %slice3A_820, %slice3A_819 : vector<1x1024xf32>
    %eq3A_824 = arith.cmpf oeq, %slice3A_820, %slice3A_819 : vector<1x1024xf32>
    %lt3A_825 = arith.cmpi slt, %slice3A_822, %slice3A_821 : vector<1x1024xi32>
    %and3A_826 = arith.andi %eq3A_824, %lt3A_825 : vector<1x1024xi1>
    %or3A_827 = arith.ori %lt3A_823, %and3A_826 : vector<1x1024xi1>
    %select_n3A_828 = arith.select %or3A_827, %slice3A_820, %slice3A_819 : vector<1x1024xi1>, vector<1x1024xf32>
    %select_n3A_829 = arith.select %or3A_827, %slice3A_822, %slice3A_821 : vector<1x1024xi1>, vector<1x1024xi32>
    %slice3A_830 = vector.extract_strided_slice %select_n3A_828 {offsets = [0, 0], sizes = [1, 512], strides = [1, 1]} : vector<1x1024xf32> to vector<1x512xf32>
    %slice3A_831 = vector.extract_strided_slice %select_n3A_828 {offsets = [0, 512], sizes = [1, 512], strides = [1, 1]} : vector<1x1024xf32> to vector<1x512xf32>
    %slice3A_832 = vector.extract_strided_slice %select_n3A_829 {offsets = [0, 0], sizes = [1, 512], strides = [1, 1]} : vector<1x1024xi32> to vector<1x512xi32>
    %slice3A_833 = vector.extract_strided_slice %select_n3A_829 {offsets = [0, 512], sizes = [1, 512], strides = [1, 1]} : vector<1x1024xi32> to vector<1x512xi32>
    %lt3A_834 = arith.cmpf olt, %slice3A_831, %slice3A_830 : vector<1x512xf32>
    %eq3A_835 = arith.cmpf oeq, %slice3A_831, %slice3A_830 : vector<1x512xf32>
    %lt3A_836 = arith.cmpi slt, %slice3A_833, %slice3A_832 : vector<1x512xi32>
    %and3A_837 = arith.andi %eq3A_835, %lt3A_836 : vector<1x512xi1>
    %or3A_838 = arith.ori %lt3A_834, %and3A_837 : vector<1x512xi1>
    %select_n3A_839 = arith.select %or3A_838, %slice3A_831, %slice3A_830 : vector<1x512xi1>, vector<1x512xf32>
    %select_n3A_840 = arith.select %or3A_838, %slice3A_833, %slice3A_832 : vector<1x512xi1>, vector<1x512xi32>
    %slice3A_841 = vector.extract_strided_slice %select_n3A_839 {offsets = [0, 0], sizes = [1, 256], strides = [1, 1]} : vector<1x512xf32> to vector<1x256xf32>
    %slice3A_842 = vector.extract_strided_slice %select_n3A_839 {offsets = [0, 256], sizes = [1, 256], strides = [1, 1]} : vector<1x512xf32> to vector<1x256xf32>
    %slice3A_843 = vector.extract_strided_slice %select_n3A_840 {offsets = [0, 0], sizes = [1, 256], strides = [1, 1]} : vector<1x512xi32> to vector<1x256xi32>
    %slice3A_844 = vector.extract_strided_slice %select_n3A_840 {offsets = [0, 256], sizes = [1, 256], strides = [1, 1]} : vector<1x512xi32> to vector<1x256xi32>
    %lt3A_845 = arith.cmpf olt, %slice3A_842, %slice3A_841 : vector<1x256xf32>
    %eq3A_846 = arith.cmpf oeq, %slice3A_842, %slice3A_841 : vector<1x256xf32>
    %lt3A_847 = arith.cmpi slt, %slice3A_844, %slice3A_843 : vector<1x256xi32>
    %and3A_848 = arith.andi %eq3A_846, %lt3A_847 : vector<1x256xi1>
    %or3A_849 = arith.ori %lt3A_845, %and3A_848 : vector<1x256xi1>
    %select_n3A_850 = arith.select %or3A_849, %slice3A_844, %slice3A_843 : vector<1x256xi1>, vector<1x256xi32>
    %swap3A_851 = arith.constant 1 : index
    %swap3A_852 = arith.constant 0 : index
    %swap3A_853 = arith.constant 0 : index
    %swap3A_854 = vector.load %arg5[%swap3A_851, %swap3A_852, %swap3A_853] : memref<2x1x256xi32, #tpu.memory_space<vmem>>, vector<1x1x256xi32>
    %swap3A_855 = vector.shape_cast %swap3A_854 : vector<1x1x256xi32> to vector<1x256xi32>
    %swap3A_856 = vector.shape_cast %select_n3A_850 : vector<1x256xi32> to vector<1x1x256xi32>
    tpu.vector_store %arg5[%swap3A_851, %swap3A_852, %swap3A_853], %swap3A_856 {strides = array<i32>} : memref<2x1x256xi32, #tpu.memory_space<vmem>>, vector<1x1x256xi32>,
    %concatenate3A_857 = tpu.concatenate %select_n3A_850, %select_n3A_850, %select_n3A_850, %select_n3A_850, %select_n3A_850, %select_n3A_850, %select_n3A_850, %select_n3A_850 in 1 : vector<1x256xi32>, vector<1x256xi32>, vector<1x256xi32>, vector<1x256xi32>, vector<1x256xi32>, vector<1x256xi32>, vector<1x256xi32>, vector<1x256xi32> -> vector<1x2048xi32>
    %eq3A_858 = arith.cmpi eq, %get3A_627, %concatenate3A_857 : vector<1x2048xi32>
    %convert_element_type3A_859 = arith.extui %eq3A_858 : vector<1x2048xi1> to vector<1x2048xi32>
    %convert_element_type3A_860 = arith.sitofp %convert_element_type3A_859 : vector<1x2048xi32> to vector<1x2048xf32>
    %slice3A_861 = vector.extract_strided_slice %get3A_612 {offsets = [0, 0], sizes = [1, 2048], strides = [1, 1]} : vector<32x2048xf32> to vector<1x2048xf32>
    %mul3A_862 = arith.mulf %slice3A_861, %convert_element_type3A_860 : vector<1x2048xf32>
    %slice3A_863 = vector.extract_strided_slice %mul3A_862 {offsets = [0, 0], sizes = [1, 1024], strides = [1, 1]} : vector<1x2048xf32> to vector<1x1024xf32>
    %slice3A_864 = vector.extract_strided_slice %mul3A_862 {offsets = [0, 1024], sizes = [1, 1024], strides = [1, 1]} : vector<1x2048xf32> to vector<1x1024xf32>
    %add3A_865 = arith.addf %slice3A_863, %slice3A_864 : vector<1x1024xf32>
    %slice3A_866 = vector.extract_strided_slice %add3A_865 {offsets = [0, 0], sizes = [1, 512], strides = [1, 1]} : vector<1x1024xf32> to vector<1x512xf32>
    %slice3A_867 = vector.extract_strided_slice %add3A_865 {offsets = [0, 512], sizes = [1, 512], strides = [1, 1]} : vector<1x1024xf32> to vector<1x512xf32>
    %add3A_868 = arith.addf %slice3A_866, %slice3A_867 : vector<1x512xf32>
    %slice3A_869 = vector.extract_strided_slice %add3A_868 {offsets = [0, 0], sizes = [1, 256], strides = [1, 1]} : vector<1x512xf32> to vector<1x256xf32>
    %slice3A_870 = vector.extract_strided_slice %add3A_868 {offsets = [0, 256], sizes = [1, 256], strides = [1, 1]} : vector<1x512xf32> to vector<1x256xf32>
    %add3A_871 = arith.addf %slice3A_869, %slice3A_870 : vector<1x256xf32>
    %slice3A_872 = vector.extract_strided_slice %get3A_612 {offsets = [1, 0], sizes = [1, 2048], strides = [1, 1]} : vector<32x2048xf32> to vector<1x2048xf32>
    %mul3A_873 = arith.mulf %slice3A_872, %convert_element_type3A_860 : vector<1x2048xf32>
    %slice3A_874 = vector.extract_strided_slice %mul3A_873 {offsets = [0, 0], sizes = [1, 1024], strides = [1, 1]} : vector<1x2048xf32> to vector<1x1024xf32>
    %slice3A_875 = vector.extract_strided_slice %mul3A_873 {offsets = [0, 1024], sizes = [1, 1024], strides = [1, 1]} : vector<1x2048xf32> to vector<1x1024xf32>
    %add3A_876 = arith.addf %slice3A_874, %slice3A_875 : vector<1x1024xf32>
    %slice3A_877 = vector.extract_strided_slice %add3A_876 {offsets = [0, 0], sizes = [1, 512], strides = [1, 1]} : vector<1x1024xf32> to vector<1x512xf32>
    %slice3A_878 = vector.extract_strided_slice %add3A_876 {offsets = [0, 512], sizes = [1, 512], strides = [1, 1]} : vector<1x1024xf32> to vector<1x512xf32>
    %add3A_879 = arith.addf %slice3A_877, %slice3A_878 : vector<1x512xf32>
    %slice3A_880 = vector.extract_strided_slice %add3A_879 {offsets = [0, 0], sizes = [1, 256], strides = [1, 1]} : vector<1x512xf32> to vector<1x256xf32>
    %slice3A_881 = vector.extract_strided_slice %add3A_879 {offsets = [0, 256], sizes = [1, 256], strides = [1, 1]} : vector<1x512xf32> to vector<1x256xf32>
    %add3A_882 = arith.addf %slice3A_880, %slice3A_881 : vector<1x256xf32>
    %slice3A_883 = vector.extract_strided_slice %get3A_612 {offsets = [2, 0], sizes = [1, 2048], strides = [1, 1]} : vector<32x2048xf32> to vector<1x2048xf32>
    %mul3A_884 = arith.mulf %slice3A_883, %convert_element_type3A_860 : vector<1x2048xf32>
    %slice3A_885 = vector.extract_strided_slice %mul3A_884 {offsets = [0, 0], sizes = [1, 1024], strides = [1, 1]} : vector<1x2048xf32> to vector<1x1024xf32>
    %slice3A_886 = vector.extract_strided_slice %mul3A_884 {offsets = [0, 1024], sizes = [1, 1024], strides = [1, 1]} : vector<1x2048xf32> to vector<1x1024xf32>
    %add3A_887 = arith.addf %slice3A_885, %slice3A_886 : vector<1x1024xf32>
    %slice3A_888 = vector.extract_strided_slice %add3A_887 {offsets = [0, 0], sizes = [1, 512], strides = [1, 1]} : vector<1x1024xf32> to vector<1x512xf32>
    %slice3A_889 = vector.extract_strided_slice %add3A_887 {offsets = [0, 512], sizes = [1, 512], strides = [1, 1]} : vector<1x1024xf32> to vector<1x512xf32>
    %add3A_890 = arith.addf %slice3A_888, %slice3A_889 : vector<1x512xf32>
    %slice3A_891 = vector.extract_strided_slice %add3A_890 {offsets = [0, 0], sizes = [1, 256], strides = [1, 1]} : vector<1x512xf32> to vector<1x256xf32>
    %slice3A_892 = vector.extract_strided_slice %add3A_890 {offsets = [0, 256], sizes = [1, 256], strides = [1, 1]} : vector<1x512xf32> to vector<1x256xf32>
    %add3A_893 = arith.addf %slice3A_891, %slice3A_892 : vector<1x256xf32>
    %slice3A_894 = vector.extract_strided_slice %get3A_612 {offsets = [3, 0], sizes = [1, 2048], strides = [1, 1]} : vector<32x2048xf32> to vector<1x2048xf32>
    %mul3A_895 = arith.mulf %slice3A_894, %convert_element_type3A_860 : vector<1x2048xf32>
    %slice3A_896 = vector.extract_strided_slice %mul3A_895 {offsets = [0, 0], sizes = [1, 1024], strides = [1, 1]} : vector<1x2048xf32> to vector<1x1024xf32>
    %slice3A_897 = vector.extract_strided_slice %mul3A_895 {offsets = [0, 1024], sizes = [1, 1024], strides = [1, 1]} : vector<1x2048xf32> to vector<1x1024xf32>
    %add3A_898 = arith.addf %slice3A_896, %slice3A_897 : vector<1x1024xf32>
    %slice3A_899 = vector.extract_strided_slice %add3A_898 {offsets = [0, 0], sizes = [1, 512], strides = [1, 1]} : vector<1x1024xf32> to vector<1x512xf32>
    %slice3A_900 = vector.extract_strided_slice %add3A_898 {offsets = [0, 512], sizes = [1, 512], strides = [1, 1]} : vector<1x1024xf32> to vector<1x512xf32>
    %add3A_901 = arith.addf %slice3A_899, %slice3A_900 : vector<1x512xf32>
    %slice3A_902 = vector.extract_strided_slice %add3A_901 {offsets = [0, 0], sizes = [1, 256], strides = [1, 1]} : vector<1x512xf32> to vector<1x256xf32>
    %slice3A_903 = vector.extract_strided_slice %add3A_901 {offsets = [0, 256], sizes = [1, 256], strides = [1, 1]} : vector<1x512xf32> to vector<1x256xf32>
    %add3A_904 = arith.addf %slice3A_902, %slice3A_903 : vector<1x256xf32>
    %slice3A_905 = vector.extract_strided_slice %get3A_612 {offsets = [4, 0], sizes = [1, 2048], strides = [1, 1]} : vector<32x2048xf32> to vector<1x2048xf32>
    %mul3A_906 = arith.mulf %slice3A_905, %convert_element_type3A_860 : vector<1x2048xf32>
    %slice3A_907 = vector.extract_strided_slice %mul3A_906 {offsets = [0, 0], sizes = [1, 1024], strides = [1, 1]} : vector<1x2048xf32> to vector<1x1024xf32>
    %slice3A_908 = vector.extract_strided_slice %mul3A_906 {offsets = [0, 1024], sizes = [1, 1024], strides = [1, 1]} : vector<1x2048xf32> to vector<1x1024xf32>
    %add3A_909 = arith.addf %slice3A_907, %slice3A_908 : vector<1x1024xf32>
    %slice3A_910 = vector.extract_strided_slice %add3A_909 {offsets = [0, 0], sizes = [1, 512], strides = [1, 1]} : vector<1x1024xf32> to vector<1x512xf32>
    %slice3A_911 = vector.extract_strided_slice %add3A_909 {offsets = [0, 512], sizes = [1, 512], strides = [1, 1]} : vector<1x1024xf32> to vector<1x512xf32>
    %add3A_912 = arith.addf %slice3A_910, %slice3A_911 : vector<1x512xf32>
    %slice3A_913 = vector.extract_strided_slice %add3A_912 {offsets = [0, 0], sizes = [1, 256], strides = [1, 1]} : vector<1x512xf32> to vector<1x256xf32>
    %slice3A_914 = vector.extract_strided_slice %add3A_912 {offsets = [0, 256], sizes = [1, 256], strides = [1, 1]} : vector<1x512xf32> to vector<1x256xf32>
    %add3A_915 = arith.addf %slice3A_913, %slice3A_914 : vector<1x256xf32>
    %slice3A_916 = vector.extract_strided_slice %get3A_612 {offsets = [5, 0], sizes = [1, 2048], strides = [1, 1]} : vector<32x2048xf32> to vector<1x2048xf32>
    %mul3A_917 = arith.mulf %slice3A_916, %convert_element_type3A_860 : vector<1x2048xf32>
    %slice3A_918 = vector.extract_strided_slice %mul3A_917 {offsets = [0, 0], sizes = [1, 1024], strides = [1, 1]} : vector<1x2048xf32> to vector<1x1024xf32>
    %slice3A_919 = vector.extract_strided_slice %mul3A_917 {offsets = [0, 1024], sizes = [1, 1024], strides = [1, 1]} : vector<1x2048xf32> to vector<1x1024xf32>
    %add3A_920 = arith.addf %slice3A_918, %slice3A_919 : vector<1x1024xf32>
    %slice3A_921 = vector.extract_strided_slice %add3A_920 {offsets = [0, 0], sizes = [1, 512], strides = [1, 1]} : vector<1x1024xf32> to vector<1x512xf32>
    %slice3A_922 = vector.extract_strided_slice %add3A_920 {offsets = [0, 512], sizes = [1, 512], strides = [1, 1]} : vector<1x1024xf32> to vector<1x512xf32>
    %add3A_923 = arith.addf %slice3A_921, %slice3A_922 : vector<1x512xf32>
    %slice3A_924 = vector.extract_strided_slice %add3A_923 {offsets = [0, 0], sizes = [1, 256], strides = [1, 1]} : vector<1x512xf32> to vector<1x256xf32>
    %slice3A_925 = vector.extract_strided_slice %add3A_923 {offsets = [0, 256], sizes = [1, 256], strides = [1, 1]} : vector<1x512xf32> to vector<1x256xf32>
    %add3A_926 = arith.addf %slice3A_924, %slice3A_925 : vector<1x256xf32>
    %slice3A_927 = vector.extract_strided_slice %get3A_612 {offsets = [6, 0], sizes = [1, 2048], strides = [1, 1]} : vector<32x2048xf32> to vector<1x2048xf32>
    %mul3A_928 = arith.mulf %slice3A_927, %convert_element_type3A_860 : vector<1x2048xf32>
    %slice3A_929 = vector.extract_strided_slice %mul3A_928 {offsets = [0, 0], sizes = [1, 1024], strides = [1, 1]} : vector<1x2048xf32> to vector<1x1024xf32>
    %slice3A_930 = vector.extract_strided_slice %mul3A_928 {offsets = [0, 1024], sizes = [1, 1024], strides = [1, 1]} : vector<1x2048xf32> to vector<1x1024xf32>
    %add3A_931 = arith.addf %slice3A_929, %slice3A_930 : vector<1x1024xf32>
    %slice3A_932 = vector.extract_strided_slice %add3A_931 {offsets = [0, 0], sizes = [1, 512], strides = [1, 1]} : vector<1x1024xf32> to vector<1x512xf32>
    %slice3A_933 = vector.extract_strided_slice %add3A_931 {offsets = [0, 512], sizes = [1, 512], strides = [1, 1]} : vector<1x1024xf32> to vector<1x512xf32>
    %add3A_934 = arith.addf %slice3A_932, %slice3A_933 : vector<1x512xf32>
    %slice3A_935 = vector.extract_strided_slice %add3A_934 {offsets = [0, 0], sizes = [1, 256], strides = [1, 1]} : vector<1x512xf32> to vector<1x256xf32>
    %slice3A_936 = vector.extract_strided_slice %add3A_934 {offsets = [0, 256], sizes = [1, 256], strides = [1, 1]} : vector<1x512xf32> to vector<1x256xf32>
    %add3A_937 = arith.addf %slice3A_935, %slice3A_936 : vector<1x256xf32>
    %slice3A_938 = vector.extract_strided_slice %get3A_612 {offsets = [7, 0], sizes = [1, 2048], strides = [1, 1]} : vector<32x2048xf32> to vector<1x2048xf32>
    %mul3A_939 = arith.mulf %slice3A_938, %convert_element_type3A_860 : vector<1x2048xf32>
    %slice3A_940 = vector.extract_strided_slice %mul3A_939 {offsets = [0, 0], sizes = [1, 1024], strides = [1, 1]} : vector<1x2048xf32> to vector<1x1024xf32>
    %slice3A_941 = vector.extract_strided_slice %mul3A_939 {offsets = [0, 1024], sizes = [1, 1024], strides = [1, 1]} : vector<1x2048xf32> to vector<1x1024xf32>
    %add3A_942 = arith.addf %slice3A_940, %slice3A_941 : vector<1x1024xf32>
    %slice3A_943 = vector.extract_strided_slice %add3A_942 {offsets = [0, 0], sizes = [1, 512], strides = [1, 1]} : vector<1x1024xf32> to vector<1x512xf32>
    %slice3A_944 = vector.extract_strided_slice %add3A_942 {offsets = [0, 512], sizes = [1, 512], strides = [1, 1]} : vector<1x1024xf32> to vector<1x512xf32>
    %add3A_945 = arith.addf %slice3A_943, %slice3A_944 : vector<1x512xf32>
    %slice3A_946 = vector.extract_strided_slice %add3A_945 {offsets = [0, 0], sizes = [1, 256], strides = [1, 1]} : vector<1x512xf32> to vector<1x256xf32>
    %slice3A_947 = vector.extract_strided_slice %add3A_945 {offsets = [0, 256], sizes = [1, 256], strides = [1, 1]} : vector<1x512xf32> to vector<1x256xf32>
    %add3A_948 = arith.addf %slice3A_946, %slice3A_947 : vector<1x256xf32>
    %slice3A_949 = vector.extract_strided_slice %get3A_612 {offsets = [8, 0], sizes = [1, 2048], strides = [1, 1]} : vector<32x2048xf32> to vector<1x2048xf32>
    %mul3A_950 = arith.mulf %slice3A_949, %convert_element_type3A_860 : vector<1x2048xf32>
    %slice3A_951 = vector.extract_strided_slice %mul3A_950 {offsets = [0, 0], sizes = [1, 1024], strides = [1, 1]} : vector<1x2048xf32> to vector<1x1024xf32>
    %slice3A_952 = vector.extract_strided_slice %mul3A_950 {offsets = [0, 1024], sizes = [1, 1024], strides = [1, 1]} : vector<1x2048xf32> to vector<1x1024xf32>
    %add3A_953 = arith.addf %slice3A_951, %slice3A_952 : vector<1x1024xf32>
    %slice3A_954 = vector.extract_strided_slice %add3A_953 {offsets = [0, 0], sizes = [1, 512], strides = [1, 1]} : vector<1x1024xf32> to vector<1x512xf32>
    %slice3A_955 = vector.extract_strided_slice %add3A_953 {offsets = [0, 512], sizes = [1, 512], strides = [1, 1]} : vector<1x1024xf32> to vector<1x512xf32>
    %add3A_956 = arith.addf %slice3A_954, %slice3A_955 : vector<1x512xf32>
    %slice3A_957 = vector.extract_strided_slice %add3A_956 {offsets = [0, 0], sizes = [1, 256], strides = [1, 1]} : vector<1x512xf32> to vector<1x256xf32>
    %slice3A_958 = vector.extract_strided_slice %add3A_956 {offsets = [0, 256], sizes = [1, 256], strides = [1, 1]} : vector<1x512xf32> to vector<1x256xf32>
    %add3A_959 = arith.addf %slice3A_957, %slice3A_958 : vector<1x256xf32>
    %slice3A_960 = vector.extract_strided_slice %get3A_612 {offsets = [9, 0], sizes = [1, 2048], strides = [1, 1]} : vector<32x2048xf32> to vector<1x2048xf32>
    %mul3A_961 = arith.mulf %slice3A_960, %convert_element_type3A_860 : vector<1x2048xf32>
    %slice3A_962 = vector.extract_strided_slice %mul3A_961 {offsets = [0, 0], sizes = [1, 1024], strides = [1, 1]} : vector<1x2048xf32> to vector<1x1024xf32>
    %slice3A_963 = vector.extract_strided_slice %mul3A_961 {offsets = [0, 1024], sizes = [1, 1024], strides = [1, 1]} : vector<1x2048xf32> to vector<1x1024xf32>
    %add3A_964 = arith.addf %slice3A_962, %slice3A_963 : vector<1x1024xf32>
    %slice3A_965 = vector.extract_strided_slice %add3A_964 {offsets = [0, 0], sizes = [1, 512], strides = [1, 1]} : vector<1x1024xf32> to vector<1x512xf32>
    %slice3A_966 = vector.extract_strided_slice %add3A_964 {offsets = [0, 512], sizes = [1, 512], strides = [1, 1]} : vector<1x1024xf32> to vector<1x512xf32>
    %add3A_967 = arith.addf %slice3A_965, %slice3A_966 : vector<1x512xf32>
    %slice3A_968 = vector.extract_strided_slice %add3A_967 {offsets = [0, 0], sizes = [1, 256], strides = [1, 1]} : vector<1x512xf32> to vector<1x256xf32>
    %slice3A_969 = vector.extract_strided_slice %add3A_967 {offsets = [0, 256], sizes = [1, 256], strides = [1, 1]} : vector<1x512xf32> to vector<1x256xf32>
    %add3A_970 = arith.addf %slice3A_968, %slice3A_969 : vector<1x256xf32>
    %slice3A_971 = vector.extract_strided_slice %get3A_612 {offsets = [10, 0], sizes = [1, 2048], strides = [1, 1]} : vector<32x2048xf32> to vector<1x2048xf32>
    %mul3A_972 = arith.mulf %slice3A_971, %convert_element_type3A_860 : vector<1x2048xf32>
    %slice3A_973 = vector.extract_strided_slice %mul3A_972 {offsets = [0, 0], sizes = [1, 1024], strides = [1, 1]} : vector<1x2048xf32> to vector<1x1024xf32>
    %slice3A_974 = vector.extract_strided_slice %mul3A_972 {offsets = [0, 1024], sizes = [1, 1024], strides = [1, 1]} : vector<1x2048xf32> to vector<1x1024xf32>
    %add3A_975 = arith.addf %slice3A_973, %slice3A_974 : vector<1x1024xf32>
    %slice3A_976 = vector.extract_strided_slice %add3A_975 {offsets = [0, 0], sizes = [1, 512], strides = [1, 1]} : vector<1x1024xf32> to vector<1x512xf32>
    %slice3A_977 = vector.extract_strided_slice %add3A_975 {offsets = [0, 512], sizes = [1, 512], strides = [1, 1]} : vector<1x1024xf32> to vector<1x512xf32>
    %add3A_978 = arith.addf %slice3A_976, %slice3A_977 : vector<1x512xf32>
    %slice3A_979 = vector.extract_strided_slice %add3A_978 {offsets = [0, 0], sizes = [1, 256], strides = [1, 1]} : vector<1x512xf32> to vector<1x256xf32>
    %slice3A_980 = vector.extract_strided_slice %add3A_978 {offsets = [0, 256], sizes = [1, 256], strides = [1, 1]} : vector<1x512xf32> to vector<1x256xf32>
    %add3A_981 = arith.addf %slice3A_979, %slice3A_980 : vector<1x256xf32>
    %slice3A_982 = vector.extract_strided_slice %get3A_612 {offsets = [11, 0], sizes = [1, 2048], strides = [1, 1]} : vector<32x2048xf32> to vector<1x2048xf32>
    %mul3A_983 = arith.mulf %slice3A_982, %convert_element_type3A_860 : vector<1x2048xf32>
    %slice3A_984 = vector.extract_strided_slice %mul3A_983 {offsets = [0, 0], sizes = [1, 1024], strides = [1, 1]} : vector<1x2048xf32> to vector<1x1024xf32>
    %slice3A_985 = vector.extract_strided_slice %mul3A_983 {offsets = [0, 1024], sizes = [1, 1024], strides = [1, 1]} : vector<1x2048xf32> to vector<1x1024xf32>
    %add3A_986 = arith.addf %slice3A_984, %slice3A_985 : vector<1x1024xf32>
    %slice3A_987 = vector.extract_strided_slice %add3A_986 {offsets = [0, 0], sizes = [1, 512], strides = [1, 1]} : vector<1x1024xf32> to vector<1x512xf32>
    %slice3A_988 = vector.extract_strided_slice %add3A_986 {offsets = [0, 512], sizes = [1, 512], strides = [1, 1]} : vector<1x1024xf32> to vector<1x512xf32>
    %add3A_989 = arith.addf %slice3A_987, %slice3A_988 : vector<1x512xf32>
    %slice3A_990 = vector.extract_strided_slice %add3A_989 {offsets = [0, 0], sizes = [1, 256], strides = [1, 1]} : vector<1x512xf32> to vector<1x256xf32>
    %slice3A_991 = vector.extract_strided_slice %add3A_989 {offsets = [0, 256], sizes = [1, 256], strides = [1, 1]} : vector<1x512xf32> to vector<1x256xf32>
    %add3A_992 = arith.addf %slice3A_990, %slice3A_991 : vector<1x256xf32>
    %slice3A_993 = vector.extract_strided_slice %get3A_612 {offsets = [12, 0], sizes = [1, 2048], strides = [1, 1]} : vector<32x2048xf32> to vector<1x2048xf32>
    %mul3A_994 = arith.mulf %slice3A_993, %convert_element_type3A_860 : vector<1x2048xf32>
    %slice3A_995 = vector.extract_strided_slice %mul3A_994 {offsets = [0, 0], sizes = [1, 1024], strides = [1, 1]} : vector<1x2048xf32> to vector<1x1024xf32>
    %slice3A_996 = vector.extract_strided_slice %mul3A_994 {offsets = [0, 1024], sizes = [1, 1024], strides = [1, 1]} : vector<1x2048xf32> to vector<1x1024xf32>
    %add3A_997 = arith.addf %slice3A_995, %slice3A_996 : vector<1x1024xf32>
    %slice3A_998 = vector.extract_strided_slice %add3A_997 {offsets = [0, 0], sizes = [1, 512], strides = [1, 1]} : vector<1x1024xf32> to vector<1x512xf32>
    %slice3A_999 = vector.extract_strided_slice %add3A_997 {offsets = [0, 512], sizes = [1, 512], strides = [1, 1]} : vector<1x1024xf32> to vector<1x512xf32>
    %add3A_1000 = arith.addf %slice3A_998, %slice3A_999 : vector<1x512xf32>
    %slice3A_1001 = vector.extract_strided_slice %add3A_1000 {offsets = [0, 0], sizes = [1, 256], strides = [1, 1]} : vector<1x512xf32> to vector<1x256xf32>
    %slice3A_1002 = vector.extract_strided_slice %add3A_1000 {offsets = [0, 256], sizes = [1, 256], strides = [1, 1]} : vector<1x512xf32> to vector<1x256xf32>
    %add3A_1003 = arith.addf %slice3A_1001, %slice3A_1002 : vector<1x256xf32>
    %slice3A_1004 = vector.extract_strided_slice %get3A_612 {offsets = [13, 0], sizes = [1, 2048], strides = [1, 1]} : vector<32x2048xf32> to vector<1x2048xf32>
    %mul3A_1005 = arith.mulf %slice3A_1004, %convert_element_type3A_860 : vector<1x2048xf32>
    %slice3A_1006 = vector.extract_strided_slice %mul3A_1005 {offsets = [0, 0], sizes = [1, 1024], strides = [1, 1]} : vector<1x2048xf32> to vector<1x1024xf32>
    %slice3A_1007 = vector.extract_strided_slice %mul3A_1005 {offsets = [0, 1024], sizes = [1, 1024], strides = [1, 1]} : vector<1x2048xf32> to vector<1x1024xf32>
    %add3A_1008 = arith.addf %slice3A_1006, %slice3A_1007 : vector<1x1024xf32>
    %slice3A_1009 = vector.extract_strided_slice %add3A_1008 {offsets = [0, 0], sizes = [1, 512], strides = [1, 1]} : vector<1x1024xf32> to vector<1x512xf32>
    %slice3A_1010 = vector.extract_strided_slice %add3A_1008 {offsets = [0, 512], sizes = [1, 512], strides = [1, 1]} : vector<1x1024xf32> to vector<1x512xf32>
    %add3A_1011 = arith.addf %slice3A_1009, %slice3A_1010 : vector<1x512xf32>
    %slice3A_1012 = vector.extract_strided_slice %add3A_1011 {offsets = [0, 0], sizes = [1, 256], strides = [1, 1]} : vector<1x512xf32> to vector<1x256xf32>
    %slice3A_1013 = vector.extract_strided_slice %add3A_1011 {offsets = [0, 256], sizes = [1, 256], strides = [1, 1]} : vector<1x512xf32> to vector<1x256xf32>
    %add3A_1014 = arith.addf %slice3A_1012, %slice3A_1013 : vector<1x256xf32>
    %slice3A_1015 = vector.extract_strided_slice %get3A_612 {offsets = [14, 0], sizes = [1, 2048], strides = [1, 1]} : vector<32x2048xf32> to vector<1x2048xf32>
    %mul3A_1016 = arith.mulf %slice3A_1015, %convert_element_type3A_860 : vector<1x2048xf32>
    %slice3A_1017 = vector.extract_strided_slice %mul3A_1016 {offsets = [0, 0], sizes = [1, 1024], strides = [1, 1]} : vector<1x2048xf32> to vector<1x1024xf32>
    %slice3A_1018 = vector.extract_strided_slice %mul3A_1016 {offsets = [0, 1024], sizes = [1, 1024], strides = [1, 1]} : vector<1x2048xf32> to vector<1x1024xf32>
    %add3A_1019 = arith.addf %slice3A_1017, %slice3A_1018 : vector<1x1024xf32>
    %slice3A_1020 = vector.extract_strided_slice %add3A_1019 {offsets = [0, 0], sizes = [1, 512], strides = [1, 1]} : vector<1x1024xf32> to vector<1x512xf32>
    %slice3A_1021 = vector.extract_strided_slice %add3A_1019 {offsets = [0, 512], sizes = [1, 512], strides = [1, 1]} : vector<1x1024xf32> to vector<1x512xf32>
    %add3A_1022 = arith.addf %slice3A_1020, %slice3A_1021 : vector<1x512xf32>
    %slice3A_1023 = vector.extract_strided_slice %add3A_1022 {offsets = [0, 0], sizes = [1, 256], strides = [1, 1]} : vector<1x512xf32> to vector<1x256xf32>
    %slice3A_1024 = vector.extract_strided_slice %add3A_1022 {offsets = [0, 256], sizes = [1, 256], strides = [1, 1]} : vector<1x512xf32> to vector<1x256xf32>
    %add3A_1025 = arith.addf %slice3A_1023, %slice3A_1024 : vector<1x256xf32>
    %slice3A_1026 = vector.extract_strided_slice %get3A_612 {offsets = [15, 0], sizes = [1, 2048], strides = [1, 1]} : vector<32x2048xf32> to vector<1x2048xf32>
    %mul3A_1027 = arith.mulf %slice3A_1026, %convert_element_type3A_860 : vector<1x2048xf32>
    %slice3A_1028 = vector.extract_strided_slice %mul3A_1027 {offsets = [0, 0], sizes = [1, 1024], strides = [1, 1]} : vector<1x2048xf32> to vector<1x1024xf32>
    %slice3A_1029 = vector.extract_strided_slice %mul3A_1027 {offsets = [0, 1024], sizes = [1, 1024], strides = [1, 1]} : vector<1x2048xf32> to vector<1x1024xf32>
    %add3A_1030 = arith.addf %slice3A_1028, %slice3A_1029 : vector<1x1024xf32>
    %slice3A_1031 = vector.extract_strided_slice %add3A_1030 {offsets = [0, 0], sizes = [1, 512], strides = [1, 1]} : vector<1x1024xf32> to vector<1x512xf32>
    %slice3A_1032 = vector.extract_strided_slice %add3A_1030 {offsets = [0, 512], sizes = [1, 512], strides = [1, 1]} : vector<1x1024xf32> to vector<1x512xf32>
    %add3A_1033 = arith.addf %slice3A_1031, %slice3A_1032 : vector<1x512xf32>
    %slice3A_1034 = vector.extract_strided_slice %add3A_1033 {offsets = [0, 0], sizes = [1, 256], strides = [1, 1]} : vector<1x512xf32> to vector<1x256xf32>
    %slice3A_1035 = vector.extract_strided_slice %add3A_1033 {offsets = [0, 256], sizes = [1, 256], strides = [1, 1]} : vector<1x512xf32> to vector<1x256xf32>
    %add3A_1036 = arith.addf %slice3A_1034, %slice3A_1035 : vector<1x256xf32>
    %slice3A_1037 = vector.extract_strided_slice %get3A_612 {offsets = [16, 0], sizes = [1, 2048], strides = [1, 1]} : vector<32x2048xf32> to vector<1x2048xf32>
    %mul3A_1038 = arith.mulf %slice3A_1037, %convert_element_type3A_860 : vector<1x2048xf32>
    %slice3A_1039 = vector.extract_strided_slice %mul3A_1038 {offsets = [0, 0], sizes = [1, 1024], strides = [1, 1]} : vector<1x2048xf32> to vector<1x1024xf32>
    %slice3A_1040 = vector.extract_strided_slice %mul3A_1038 {offsets = [0, 1024], sizes = [1, 1024], strides = [1, 1]} : vector<1x2048xf32> to vector<1x1024xf32>
    %add3A_1041 = arith.addf %slice3A_1039, %slice3A_1040 : vector<1x1024xf32>
    %slice3A_1042 = vector.extract_strided_slice %add3A_1041 {offsets = [0, 0], sizes = [1, 512], strides = [1, 1]} : vector<1x1024xf32> to vector<1x512xf32>
    %slice3A_1043 = vector.extract_strided_slice %add3A_1041 {offsets = [0, 512], sizes = [1, 512], strides = [1, 1]} : vector<1x1024xf32> to vector<1x512xf32>
    %add3A_1044 = arith.addf %slice3A_1042, %slice3A_1043 : vector<1x512xf32>
    %slice3A_1045 = vector.extract_strided_slice %add3A_1044 {offsets = [0, 0], sizes = [1, 256], strides = [1, 1]} : vector<1x512xf32> to vector<1x256xf32>
    %slice3A_1046 = vector.extract_strided_slice %add3A_1044 {offsets = [0, 256], sizes = [1, 256], strides = [1, 1]} : vector<1x512xf32> to vector<1x256xf32>
    %add3A_1047 = arith.addf %slice3A_1045, %slice3A_1046 : vector<1x256xf32>
    %slice3A_1048 = vector.extract_strided_slice %get3A_612 {offsets = [17, 0], sizes = [1, 2048], strides = [1, 1]} : vector<32x2048xf32> to vector<1x2048xf32>
    %mul3A_1049 = arith.mulf %slice3A_1048, %convert_element_type3A_860 : vector<1x2048xf32>
    %slice3A_1050 = vector.extract_strided_slice %mul3A_1049 {offsets = [0, 0], sizes = [1, 1024], strides = [1, 1]} : vector<1x2048xf32> to vector<1x1024xf32>
    %slice3A_1051 = vector.extract_strided_slice %mul3A_1049 {offsets = [0, 1024], sizes = [1, 1024], strides = [1, 1]} : vector<1x2048xf32> to vector<1x1024xf32>
    %add3A_1052 = arith.addf %slice3A_1050, %slice3A_1051 : vector<1x1024xf32>
    %slice3A_1053 = vector.extract_strided_slice %add3A_1052 {offsets = [0, 0], sizes = [1, 512], strides = [1, 1]} : vector<1x1024xf32> to vector<1x512xf32>
    %slice3A_1054 = vector.extract_strided_slice %add3A_1052 {offsets = [0, 512], sizes = [1, 512], strides = [1, 1]} : vector<1x1024xf32> to vector<1x512xf32>
    %add3A_1055 = arith.addf %slice3A_1053, %slice3A_1054 : vector<1x512xf32>
    %slice3A_1056 = vector.extract_strided_slice %add3A_1055 {offsets = [0, 0], sizes = [1, 256], strides = [1, 1]} : vector<1x512xf32> to vector<1x256xf32>
    %slice3A_1057 = vector.extract_strided_slice %add3A_1055 {offsets = [0, 256], sizes = [1, 256], strides = [1, 1]} : vector<1x512xf32> to vector<1x256xf32>
    %add3A_1058 = arith.addf %slice3A_1056, %slice3A_1057 : vector<1x256xf32>
    %slice3A_1059 = vector.extract_strided_slice %get3A_612 {offsets = [18, 0], sizes = [1, 2048], strides = [1, 1]} : vector<32x2048xf32> to vector<1x2048xf32>
    %mul3A_1060 = arith.mulf %slice3A_1059, %convert_element_type3A_860 : vector<1x2048xf32>
    %slice3A_1061 = vector.extract_strided_slice %mul3A_1060 {offsets = [0, 0], sizes = [1, 1024], strides = [1, 1]} : vector<1x2048xf32> to vector<1x1024xf32>
    %slice3A_1062 = vector.extract_strided_slice %mul3A_1060 {offsets = [0, 1024], sizes = [1, 1024], strides = [1, 1]} : vector<1x2048xf32> to vector<1x1024xf32>
    %add3A_1063 = arith.addf %slice3A_1061, %slice3A_1062 : vector<1x1024xf32>
    %slice3A_1064 = vector.extract_strided_slice %add3A_1063 {offsets = [0, 0], sizes = [1, 512], strides = [1, 1]} : vector<1x1024xf32> to vector<1x512xf32>
    %slice3A_1065 = vector.extract_strided_slice %add3A_1063 {offsets = [0, 512], sizes = [1, 512], strides = [1, 1]} : vector<1x1024xf32> to vector<1x512xf32>
    %add3A_1066 = arith.addf %slice3A_1064, %slice3A_1065 : vector<1x512xf32>
    %slice3A_1067 = vector.extract_strided_slice %add3A_1066 {offsets = [0, 0], sizes = [1, 256], strides = [1, 1]} : vector<1x512xf32> to vector<1x256xf32>
    %slice3A_1068 = vector.extract_strided_slice %add3A_1066 {offsets = [0, 256], sizes = [1, 256], strides = [1, 1]} : vector<1x512xf32> to vector<1x256xf32>
    %add3A_1069 = arith.addf %slice3A_1067, %slice3A_1068 : vector<1x256xf32>
    %slice3A_1070 = vector.extract_strided_slice %get3A_612 {offsets = [19, 0], sizes = [1, 2048], strides = [1, 1]} : vector<32x2048xf32> to vector<1x2048xf32>
    %mul3A_1071 = arith.mulf %slice3A_1070, %convert_element_type3A_860 : vector<1x2048xf32>
    %slice3A_1072 = vector.extract_strided_slice %mul3A_1071 {offsets = [0, 0], sizes = [1, 1024], strides = [1, 1]} : vector<1x2048xf32> to vector<1x1024xf32>
    %slice3A_1073 = vector.extract_strided_slice %mul3A_1071 {offsets = [0, 1024], sizes = [1, 1024], strides = [1, 1]} : vector<1x2048xf32> to vector<1x1024xf32>
    %add3A_1074 = arith.addf %slice3A_1072, %slice3A_1073 : vector<1x1024xf32>
    %slice3A_1075 = vector.extract_strided_slice %add3A_1074 {offsets = [0, 0], sizes = [1, 512], strides = [1, 1]} : vector<1x1024xf32> to vector<1x512xf32>
    %slice3A_1076 = vector.extract_strided_slice %add3A_1074 {offsets = [0, 512], sizes = [1, 512], strides = [1, 1]} : vector<1x1024xf32> to vector<1x512xf32>
    %add3A_1077 = arith.addf %slice3A_1075, %slice3A_1076 : vector<1x512xf32>
    %slice3A_1078 = vector.extract_strided_slice %add3A_1077 {offsets = [0, 0], sizes = [1, 256], strides = [1, 1]} : vector<1x512xf32> to vector<1x256xf32>
    %slice3A_1079 = vector.extract_strided_slice %add3A_1077 {offsets = [0, 256], sizes = [1, 256], strides = [1, 1]} : vector<1x512xf32> to vector<1x256xf32>
    %add3A_1080 = arith.addf %slice3A_1078, %slice3A_1079 : vector<1x256xf32>
    %slice3A_1081 = vector.extract_strided_slice %get3A_612 {offsets = [20, 0], sizes = [1, 2048], strides = [1, 1]} : vector<32x2048xf32> to vector<1x2048xf32>
    %mul3A_1082 = arith.mulf %slice3A_1081, %convert_element_type3A_860 : vector<1x2048xf32>
    %slice3A_1083 = vector.extract_strided_slice %mul3A_1082 {offsets = [0, 0], sizes = [1, 1024], strides = [1, 1]} : vector<1x2048xf32> to vector<1x1024xf32>
    %slice3A_1084 = vector.extract_strided_slice %mul3A_1082 {offsets = [0, 1024], sizes = [1, 1024], strides = [1, 1]} : vector<1x2048xf32> to vector<1x1024xf32>
    %add3A_1085 = arith.addf %slice3A_1083, %slice3A_1084 : vector<1x1024xf32>
    %slice3A_1086 = vector.extract_strided_slice %add3A_1085 {offsets = [0, 0], sizes = [1, 512], strides = [1, 1]} : vector<1x1024xf32> to vector<1x512xf32>
    %slice3A_1087 = vector.extract_strided_slice %add3A_1085 {offsets = [0, 512], sizes = [1, 512], strides = [1, 1]} : vector<1x1024xf32> to vector<1x512xf32>
    %add3A_1088 = arith.addf %slice3A_1086, %slice3A_1087 : vector<1x512xf32>
    %slice3A_1089 = vector.extract_strided_slice %add3A_1088 {offsets = [0, 0], sizes = [1, 256], strides = [1, 1]} : vector<1x512xf32> to vector<1x256xf32>
    %slice3A_1090 = vector.extract_strided_slice %add3A_1088 {offsets = [0, 256], sizes = [1, 256], strides = [1, 1]} : vector<1x512xf32> to vector<1x256xf32>
    %add3A_1091 = arith.addf %slice3A_1089, %slice3A_1090 : vector<1x256xf32>
    %slice3A_1092 = vector.extract_strided_slice %get3A_612 {offsets = [21, 0], sizes = [1, 2048], strides = [1, 1]} : vector<32x2048xf32> to vector<1x2048xf32>
    %mul3A_1093 = arith.mulf %slice3A_1092, %convert_element_type3A_860 : vector<1x2048xf32>
    %slice3A_1094 = vector.extract_strided_slice %mul3A_1093 {offsets = [0, 0], sizes = [1, 1024], strides = [1, 1]} : vector<1x2048xf32> to vector<1x1024xf32>
    %slice3A_1095 = vector.extract_strided_slice %mul3A_1093 {offsets = [0, 1024], sizes = [1, 1024], strides = [1, 1]} : vector<1x2048xf32> to vector<1x1024xf32>
    %add3A_1096 = arith.addf %slice3A_1094, %slice3A_1095 : vector<1x1024xf32>
    %slice3A_1097 = vector.extract_strided_slice %add3A_1096 {offsets = [0, 0], sizes = [1, 512], strides = [1, 1]} : vector<1x1024xf32> to vector<1x512xf32>
    %slice3A_1098 = vector.extract_strided_slice %add3A_1096 {offsets = [0, 512], sizes = [1, 512], strides = [1, 1]} : vector<1x1024xf32> to vector<1x512xf32>
    %add3A_1099 = arith.addf %slice3A_1097, %slice3A_1098 : vector<1x512xf32>
    %slice3A_1100 = vector.extract_strided_slice %add3A_1099 {offsets = [0, 0], sizes = [1, 256], strides = [1, 1]} : vector<1x512xf32> to vector<1x256xf32>
    %slice3A_1101 = vector.extract_strided_slice %add3A_1099 {offsets = [0, 256], sizes = [1, 256], strides = [1, 1]} : vector<1x512xf32> to vector<1x256xf32>
    %add3A_1102 = arith.addf %slice3A_1100, %slice3A_1101 : vector<1x256xf32>
    %slice3A_1103 = vector.extract_strided_slice %get3A_612 {offsets = [22, 0], sizes = [1, 2048], strides = [1, 1]} : vector<32x2048xf32> to vector<1x2048xf32>
    %mul3A_1104 = arith.mulf %slice3A_1103, %convert_element_type3A_860 : vector<1x2048xf32>
    %slice3A_1105 = vector.extract_strided_slice %mul3A_1104 {offsets = [0, 0], sizes = [1, 1024], strides = [1, 1]} : vector<1x2048xf32> to vector<1x1024xf32>
    %slice3A_1106 = vector.extract_strided_slice %mul3A_1104 {offsets = [0, 1024], sizes = [1, 1024], strides = [1, 1]} : vector<1x2048xf32> to vector<1x1024xf32>
    %add3A_1107 = arith.addf %slice3A_1105, %slice3A_1106 : vector<1x1024xf32>
    %slice3A_1108 = vector.extract_strided_slice %add3A_1107 {offsets = [0, 0], sizes = [1, 512], strides = [1, 1]} : vector<1x1024xf32> to vector<1x512xf32>
    %slice3A_1109 = vector.extract_strided_slice %add3A_1107 {offsets = [0, 512], sizes = [1, 512], strides = [1, 1]} : vector<1x1024xf32> to vector<1x512xf32>
    %add3A_1110 = arith.addf %slice3A_1108, %slice3A_1109 : vector<1x512xf32>
    %slice3A_1111 = vector.extract_strided_slice %add3A_1110 {offsets = [0, 0], sizes = [1, 256], strides = [1, 1]} : vector<1x512xf32> to vector<1x256xf32>
    %slice3A_1112 = vector.extract_strided_slice %add3A_1110 {offsets = [0, 256], sizes = [1, 256], strides = [1, 1]} : vector<1x512xf32> to vector<1x256xf32>
    %add3A_1113 = arith.addf %slice3A_1111, %slice3A_1112 : vector<1x256xf32>
    %slice3A_1114 = vector.extract_strided_slice %get3A_612 {offsets = [23, 0], sizes = [1, 2048], strides = [1, 1]} : vector<32x2048xf32> to vector<1x2048xf32>
    %mul3A_1115 = arith.mulf %slice3A_1114, %convert_element_type3A_860 : vector<1x2048xf32>
    %slice3A_1116 = vector.extract_strided_slice %mul3A_1115 {offsets = [0, 0], sizes = [1, 1024], strides = [1, 1]} : vector<1x2048xf32> to vector<1x1024xf32>
    %slice3A_1117 = vector.extract_strided_slice %mul3A_1115 {offsets = [0, 1024], sizes = [1, 1024], strides = [1, 1]} : vector<1x2048xf32> to vector<1x1024xf32>
    %add3A_1118 = arith.addf %slice3A_1116, %slice3A_1117 : vector<1x1024xf32>
    %slice3A_1119 = vector.extract_strided_slice %add3A_1118 {offsets = [0, 0], sizes = [1, 512], strides = [1, 1]} : vector<1x1024xf32> to vector<1x512xf32>
    %slice3A_1120 = vector.extract_strided_slice %add3A_1118 {offsets = [0, 512], sizes = [1, 512], strides = [1, 1]} : vector<1x1024xf32> to vector<1x512xf32>
    %add3A_1121 = arith.addf %slice3A_1119, %slice3A_1120 : vector<1x512xf32>
    %slice3A_1122 = vector.extract_strided_slice %add3A_1121 {offsets = [0, 0], sizes = [1, 256], strides = [1, 1]} : vector<1x512xf32> to vector<1x256xf32>
    %slice3A_1123 = vector.extract_strided_slice %add3A_1121 {offsets = [0, 256], sizes = [1, 256], strides = [1, 1]} : vector<1x512xf32> to vector<1x256xf32>
    %add3A_1124 = arith.addf %slice3A_1122, %slice3A_1123 : vector<1x256xf32>
    %slice3A_1125 = vector.extract_strided_slice %get3A_612 {offsets = [24, 0], sizes = [1, 2048], strides = [1, 1]} : vector<32x2048xf32> to vector<1x2048xf32>
    %mul3A_1126 = arith.mulf %slice3A_1125, %convert_element_type3A_860 : vector<1x2048xf32>
    %slice3A_1127 = vector.extract_strided_slice %mul3A_1126 {offsets = [0, 0], sizes = [1, 1024], strides = [1, 1]} : vector<1x2048xf32> to vector<1x1024xf32>
    %slice3A_1128 = vector.extract_strided_slice %mul3A_1126 {offsets = [0, 1024], sizes = [1, 1024], strides = [1, 1]} : vector<1x2048xf32> to vector<1x1024xf32>
    %add3A_1129 = arith.addf %slice3A_1127, %slice3A_1128 : vector<1x1024xf32>
    %slice3A_1130 = vector.extract_strided_slice %add3A_1129 {offsets = [0, 0], sizes = [1, 512], strides = [1, 1]} : vector<1x1024xf32> to vector<1x512xf32>
    %slice3A_1131 = vector.extract_strided_slice %add3A_1129 {offsets = [0, 512], sizes = [1, 512], strides = [1, 1]} : vector<1x1024xf32> to vector<1x512xf32>
    %add3A_1132 = arith.addf %slice3A_1130, %slice3A_1131 : vector<1x512xf32>
    %slice3A_1133 = vector.extract_strided_slice %add3A_1132 {offsets = [0, 0], sizes = [1, 256], strides = [1, 1]} : vector<1x512xf32> to vector<1x256xf32>
    %slice3A_1134 = vector.extract_strided_slice %add3A_1132 {offsets = [0, 256], sizes = [1, 256], strides = [1, 1]} : vector<1x512xf32> to vector<1x256xf32>
    %add3A_1135 = arith.addf %slice3A_1133, %slice3A_1134 : vector<1x256xf32>
    %slice3A_1136 = vector.extract_strided_slice %get3A_612 {offsets = [25, 0], sizes = [1, 2048], strides = [1, 1]} : vector<32x2048xf32> to vector<1x2048xf32>
    %mul3A_1137 = arith.mulf %slice3A_1136, %convert_element_type3A_860 : vector<1x2048xf32>
    %slice3A_1138 = vector.extract_strided_slice %mul3A_1137 {offsets = [0, 0], sizes = [1, 1024], strides = [1, 1]} : vector<1x2048xf32> to vector<1x1024xf32>
    %slice3A_1139 = vector.extract_strided_slice %mul3A_1137 {offsets = [0, 1024], sizes = [1, 1024], strides = [1, 1]} : vector<1x2048xf32> to vector<1x1024xf32>
    %add3A_1140 = arith.addf %slice3A_1138, %slice3A_1139 : vector<1x1024xf32>
    %slice3A_1141 = vector.extract_strided_slice %add3A_1140 {offsets = [0, 0], sizes = [1, 512], strides = [1, 1]} : vector<1x1024xf32> to vector<1x512xf32>
    %slice3A_1142 = vector.extract_strided_slice %add3A_1140 {offsets = [0, 512], sizes = [1, 512], strides = [1, 1]} : vector<1x1024xf32> to vector<1x512xf32>
    %add3A_1143 = arith.addf %slice3A_1141, %slice3A_1142 : vector<1x512xf32>
    %slice3A_1144 = vector.extract_strided_slice %add3A_1143 {offsets = [0, 0], sizes = [1, 256], strides = [1, 1]} : vector<1x512xf32> to vector<1x256xf32>
    %slice3A_1145 = vector.extract_strided_slice %add3A_1143 {offsets = [0, 256], sizes = [1, 256], strides = [1, 1]} : vector<1x512xf32> to vector<1x256xf32>
    %add3A_1146 = arith.addf %slice3A_1144, %slice3A_1145 : vector<1x256xf32>
    %slice3A_1147 = vector.extract_strided_slice %get3A_612 {offsets = [26, 0], sizes = [1, 2048], strides = [1, 1]} : vector<32x2048xf32> to vector<1x2048xf32>
    %mul3A_1148 = arith.mulf %slice3A_1147, %convert_element_type3A_860 : vector<1x2048xf32>
    %slice3A_1149 = vector.extract_strided_slice %mul3A_1148 {offsets = [0, 0], sizes = [1, 1024], strides = [1, 1]} : vector<1x2048xf32> to vector<1x1024xf32>
    %slice3A_1150 = vector.extract_strided_slice %mul3A_1148 {offsets = [0, 1024], sizes = [1, 1024], strides = [1, 1]} : vector<1x2048xf32> to vector<1x1024xf32>
    %add3A_1151 = arith.addf %slice3A_1149, %slice3A_1150 : vector<1x1024xf32>
    %slice3A_1152 = vector.extract_strided_slice %add3A_1151 {offsets = [0, 0], sizes = [1, 512], strides = [1, 1]} : vector<1x1024xf32> to vector<1x512xf32>
    %slice3A_1153 = vector.extract_strided_slice %add3A_1151 {offsets = [0, 512], sizes = [1, 512], strides = [1, 1]} : vector<1x1024xf32> to vector<1x512xf32>
    %add3A_1154 = arith.addf %slice3A_1152, %slice3A_1153 : vector<1x512xf32>
    %slice3A_1155 = vector.extract_strided_slice %add3A_1154 {offsets = [0, 0], sizes = [1, 256], strides = [1, 1]} : vector<1x512xf32> to vector<1x256xf32>
    %slice3A_1156 = vector.extract_strided_slice %add3A_1154 {offsets = [0, 256], sizes = [1, 256], strides = [1, 1]} : vector<1x512xf32> to vector<1x256xf32>
    %add3A_1157 = arith.addf %slice3A_1155, %slice3A_1156 : vector<1x256xf32>
    %slice3A_1158 = vector.extract_strided_slice %get3A_612 {offsets = [27, 0], sizes = [1, 2048], strides = [1, 1]} : vector<32x2048xf32> to vector<1x2048xf32>
    %mul3A_1159 = arith.mulf %slice3A_1158, %convert_element_type3A_860 : vector<1x2048xf32>
    %slice3A_1160 = vector.extract_strided_slice %mul3A_1159 {offsets = [0, 0], sizes = [1, 1024], strides = [1, 1]} : vector<1x2048xf32> to vector<1x1024xf32>
    %slice3A_1161 = vector.extract_strided_slice %mul3A_1159 {offsets = [0, 1024], sizes = [1, 1024], strides = [1, 1]} : vector<1x2048xf32> to vector<1x1024xf32>
    %add3A_1162 = arith.addf %slice3A_1160, %slice3A_1161 : vector<1x1024xf32>
    %slice3A_1163 = vector.extract_strided_slice %add3A_1162 {offsets = [0, 0], sizes = [1, 512], strides = [1, 1]} : vector<1x1024xf32> to vector<1x512xf32>
    %slice3A_1164 = vector.extract_strided_slice %add3A_1162 {offsets = [0, 512], sizes = [1, 512], strides = [1, 1]} : vector<1x1024xf32> to vector<1x512xf32>
    %add3A_1165 = arith.addf %slice3A_1163, %slice3A_1164 : vector<1x512xf32>
    %slice3A_1166 = vector.extract_strided_slice %add3A_1165 {offsets = [0, 0], sizes = [1, 256], strides = [1, 1]} : vector<1x512xf32> to vector<1x256xf32>
    %slice3A_1167 = vector.extract_strided_slice %add3A_1165 {offsets = [0, 256], sizes = [1, 256], strides = [1, 1]} : vector<1x512xf32> to vector<1x256xf32>
    %add3A_1168 = arith.addf %slice3A_1166, %slice3A_1167 : vector<1x256xf32>
    %slice3A_1169 = vector.extract_strided_slice %get3A_612 {offsets = [28, 0], sizes = [1, 2048], strides = [1, 1]} : vector<32x2048xf32> to vector<1x2048xf32>
    %mul3A_1170 = arith.mulf %slice3A_1169, %convert_element_type3A_860 : vector<1x2048xf32>
    %slice3A_1171 = vector.extract_strided_slice %mul3A_1170 {offsets = [0, 0], sizes = [1, 1024], strides = [1, 1]} : vector<1x2048xf32> to vector<1x1024xf32>
    %slice3A_1172 = vector.extract_strided_slice %mul3A_1170 {offsets = [0, 1024], sizes = [1, 1024], strides = [1, 1]} : vector<1x2048xf32> to vector<1x1024xf32>
    %add3A_1173 = arith.addf %slice3A_1171, %slice3A_1172 : vector<1x1024xf32>
    %slice3A_1174 = vector.extract_strided_slice %add3A_1173 {offsets = [0, 0], sizes = [1, 512], strides = [1, 1]} : vector<1x1024xf32> to vector<1x512xf32>
    %slice3A_1175 = vector.extract_strided_slice %add3A_1173 {offsets = [0, 512], sizes = [1, 512], strides = [1, 1]} : vector<1x1024xf32> to vector<1x512xf32>
    %add3A_1176 = arith.addf %slice3A_1174, %slice3A_1175 : vector<1x512xf32>
    %slice3A_1177 = vector.extract_strided_slice %add3A_1176 {offsets = [0, 0], sizes = [1, 256], strides = [1, 1]} : vector<1x512xf32> to vector<1x256xf32>
    %slice3A_1178 = vector.extract_strided_slice %add3A_1176 {offsets = [0, 256], sizes = [1, 256], strides = [1, 1]} : vector<1x512xf32> to vector<1x256xf32>
    %add3A_1179 = arith.addf %slice3A_1177, %slice3A_1178 : vector<1x256xf32>
    %slice3A_1180 = vector.extract_strided_slice %get3A_612 {offsets = [29, 0], sizes = [1, 2048], strides = [1, 1]} : vector<32x2048xf32> to vector<1x2048xf32>
    %mul3A_1181 = arith.mulf %slice3A_1180, %convert_element_type3A_860 : vector<1x2048xf32>
    %slice3A_1182 = vector.extract_strided_slice %mul3A_1181 {offsets = [0, 0], sizes = [1, 1024], strides = [1, 1]} : vector<1x2048xf32> to vector<1x1024xf32>
    %slice3A_1183 = vector.extract_strided_slice %mul3A_1181 {offsets = [0, 1024], sizes = [1, 1024], strides = [1, 1]} : vector<1x2048xf32> to vector<1x1024xf32>
    %add3A_1184 = arith.addf %slice3A_1182, %slice3A_1183 : vector<1x1024xf32>
    %slice3A_1185 = vector.extract_strided_slice %add3A_1184 {offsets = [0, 0], sizes = [1, 512], strides = [1, 1]} : vector<1x1024xf32> to vector<1x512xf32>
    %slice3A_1186 = vector.extract_strided_slice %add3A_1184 {offsets = [0, 512], sizes = [1, 512], strides = [1, 1]} : vector<1x1024xf32> to vector<1x512xf32>
    %add3A_1187 = arith.addf %slice3A_1185, %slice3A_1186 : vector<1x512xf32>
    %slice3A_1188 = vector.extract_strided_slice %add3A_1187 {offsets = [0, 0], sizes = [1, 256], strides = [1, 1]} : vector<1x512xf32> to vector<1x256xf32>
    %slice3A_1189 = vector.extract_strided_slice %add3A_1187 {offsets = [0, 256], sizes = [1, 256], strides = [1, 1]} : vector<1x512xf32> to vector<1x256xf32>
    %add3A_1190 = arith.addf %slice3A_1188, %slice3A_1189 : vector<1x256xf32>
    %slice3A_1191 = vector.extract_strided_slice %get3A_612 {offsets = [30, 0], sizes = [1, 2048], strides = [1, 1]} : vector<32x2048xf32> to vector<1x2048xf32>
    %mul3A_1192 = arith.mulf %slice3A_1191, %convert_element_type3A_860 : vector<1x2048xf32>
    %slice3A_1193 = vector.extract_strided_slice %mul3A_1192 {offsets = [0, 0], sizes = [1, 1024], strides = [1, 1]} : vector<1x2048xf32> to vector<1x1024xf32>
    %slice3A_1194 = vector.extract_strided_slice %mul3A_1192 {offsets = [0, 1024], sizes = [1, 1024], strides = [1, 1]} : vector<1x2048xf32> to vector<1x1024xf32>
    %add3A_1195 = arith.addf %slice3A_1193, %slice3A_1194 : vector<1x1024xf32>
    %slice3A_1196 = vector.extract_strided_slice %add3A_1195 {offsets = [0, 0], sizes = [1, 512], strides = [1, 1]} : vector<1x1024xf32> to vector<1x512xf32>
    %slice3A_1197 = vector.extract_strided_slice %add3A_1195 {offsets = [0, 512], sizes = [1, 512], strides = [1, 1]} : vector<1x1024xf32> to vector<1x512xf32>
    %add3A_1198 = arith.addf %slice3A_1196, %slice3A_1197 : vector<1x512xf32>
    %slice3A_1199 = vector.extract_strided_slice %add3A_1198 {offsets = [0, 0], sizes = [1, 256], strides = [1, 1]} : vector<1x512xf32> to vector<1x256xf32>
    %slice3A_1200 = vector.extract_strided_slice %add3A_1198 {offsets = [0, 256], sizes = [1, 256], strides = [1, 1]} : vector<1x512xf32> to vector<1x256xf32>
    %add3A_1201 = arith.addf %slice3A_1199, %slice3A_1200 : vector<1x256xf32>
    %slice3A_1202 = vector.extract_strided_slice %get3A_612 {offsets = [31, 0], sizes = [1, 2048], strides = [1, 1]} : vector<32x2048xf32> to vector<1x2048xf32>
    %mul3A_1203 = arith.mulf %slice3A_1202, %convert_element_type3A_860 : vector<1x2048xf32>
    %slice3A_1204 = vector.extract_strided_slice %mul3A_1203 {offsets = [0, 0], sizes = [1, 1024], strides = [1, 1]} : vector<1x2048xf32> to vector<1x1024xf32>
    %slice3A_1205 = vector.extract_strided_slice %mul3A_1203 {offsets = [0, 1024], sizes = [1, 1024], strides = [1, 1]} : vector<1x2048xf32> to vector<1x1024xf32>
    %add3A_1206 = arith.addf %slice3A_1204, %slice3A_1205 : vector<1x1024xf32>
    %slice3A_1207 = vector.extract_strided_slice %add3A_1206 {offsets = [0, 0], sizes = [1, 512], strides = [1, 1]} : vector<1x1024xf32> to vector<1x512xf32>
    %slice3A_1208 = vector.extract_strided_slice %add3A_1206 {offsets = [0, 512], sizes = [1, 512], strides = [1, 1]} : vector<1x1024xf32> to vector<1x512xf32>
    %add3A_1209 = arith.addf %slice3A_1207, %slice3A_1208 : vector<1x512xf32>
    %slice3A_1210 = vector.extract_strided_slice %add3A_1209 {offsets = [0, 0], sizes = [1, 256], strides = [1, 1]} : vector<1x512xf32> to vector<1x256xf32>
    %slice3A_1211 = vector.extract_strided_slice %add3A_1209 {offsets = [0, 256], sizes = [1, 256], strides = [1, 1]} : vector<1x512xf32> to vector<1x256xf32>
    %add3A_1212 = arith.addf %slice3A_1210, %slice3A_1211 : vector<1x256xf32>
    %concatenate3A_1213 = tpu.concatenate %add3A_871, %add3A_882, %add3A_893, %add3A_904, %add3A_915, %add3A_926, %add3A_937, %add3A_948, %add3A_959, %add3A_970, %add3A_981, %add3A_992, %add3A_1003, %add3A_1014, %add3A_1025, %add3A_1036, %add3A_1047, %add3A_1058, %add3A_1069, %add3A_1080, %add3A_1091, %add3A_1102, %add3A_1113, %add3A_1124, %add3A_1135, %add3A_1146, %add3A_1157, %add3A_1168, %add3A_1179, %add3A_1190, %add3A_1201, %add3A_1212 in 0 : vector<1x256xf32>, vector<1x256xf32>, vector<1x256xf32>, vector<1x256xf32>, vector<1x256xf32>, vector<1x256xf32>, vector<1x256xf32>, vector<1x256xf32>, vector<1x256xf32>, vector<1x256xf32>, vector<1x256xf32>, vector<1x256xf32>, vector<1x256xf32>, vector<1x256xf32>, vector<1x256xf32>, vector<1x256xf32>, vector<1x256xf32>, vector<1x256xf32>, vector<1x256xf32>, vector<1x256xf32>, vector<1x256xf32>, vector<1x256xf32>, vector<1x256xf32>, vector<1x256xf32>, vector<1x256xf32>, vector<1x256xf32>, vector<1x256xf32>, vector<1x256xf32>, vector<1x256xf32>, vector<1x256xf32>, vector<1x256xf32>, vector<1x256xf32> -> vector<32x256xf32>
    %sub3A_1214 = arith.subf %concatenate3A_1213, %get3A_622 : vector<32x256xf32>
    %add3A_1215 = arith.addf %get3A_622, %sub3A_1214 : vector<32x256xf32>
    %swap3A_1216 = arith.constant 1 : index
    %swap3A_1217 = arith.constant 0 : index
    %swap3A_1218 = arith.constant 0 : index
    %swap3A_1219 = vector.load %arg4[%swap3A_1216, %swap3A_1217, %swap3A_1218] : memref<2x32x256xf32, #tpu.memory_space<vmem>>, vector<1x32x256xf32>
    %swap3A_1220 = vector.shape_cast %swap3A_1219 : vector<1x32x256xf32> to vector<32x256xf32>
    %swap3A_1221 = vector.shape_cast %add3A_1215 : vector<32x256xf32> to vector<1x32x256xf32>
    tpu.vector_store %arg4[%swap3A_1216, %swap3A_1217, %swap3A_1218], %swap3A_1221 {strides = array<i32>} : memref<2x32x256xf32, #tpu.memory_space<vmem>>, vector<1x32x256xf32>,
    %mul3A_1222 = arith.mulf %sub3A_1214, %sub3A_1214 : vector<32x256xf32>
    %reduce_sum3A_1223 = vector.shape_cast %mul3A_1222 : vector<32x256xf32> to vector<1x32x256xf32>
    %reduce_sum3A_1224 = arith.constant dense<0.000000e+00> : vector<1xf32>
    %reduce_sum3A_1225 = vector.multi_reduction <add>, %reduce_sum3A_1223, %reduce_sum3A_1224 [1, 2] : vector<1x32x256xf32> to vector<1xf32>
    %reduce_sum3A_1226 = vector.shape_cast %reduce_sum3A_1225 : vector<1xf32> to vector<1x1x1xf32>
    %reduce_sum3A_1227 = vector.extract %reduce_sum3A_1226[0, 0, 0] : f32 from vector<1x1x1xf32>
    %add3A_1228 = arith.addf %add3A_607, %reduce_sum3A_1227 : f32
    %mul3A_1229 = arith.constant 7.62939453E-5 : f32
    %mul3A_1230 = arith.mulf %add3A_1228, %mul3A_1229 : f32
    %reshape3A = vector.broadcast %mul3A_1230 : f32 to vector<1x1xf32>
    %swap3A_1231 = arith.constant 0 : index
    %swap3A_1232 = arith.constant 0 : index
    %swap3A_1233 = vector.load %arg6[%swap3A_1231, %swap3A_1232] : memref<1x1xf32, #tpu.memory_space<vmem>>, vector<1x1xf32>
    tpu.vector_store %arg6[%swap3A_1231, %swap3A_1232], %reshape3A {strides = array<i32>} : memref<1x1xf32, #tpu.memory_space<vmem>>, vector<1x1xf32>,
    return
  }
}

</mosaic_0001>

<sc_bundles>
// kernel: kernel.5.cloned.1.call-start
scs
__scs_entry_jumppad:
0x0: {  	(pc) =	sbr.rel $0x88, $3  }
0x1: {  	(tag) =	ssettag $0x0;
	lr =	simm.s32 $0x1  }
0x2: {  	[smem:$0x3F9F] =	sst lr;
	_ =	strace $0xD0000000  }
0x3: {  	_ = 	snop  }
0x4: {  	_ = 	snop  }
0x5: {  	_ = 	snop  }
0x6: {  	_ = 	snop  }
0x7: {  	_ = 	snop  }
__scs_overlays_trampoline_lowered:
0x8: {  	[smem:$0x3FAE] =	sst s0  }
0x9: {  	[smem:$0x3FAF] =	sst s1  }
0xa: {  	[smem:$0x3FB0] =	sst s2  }
0xb: {  	[smem:$0x3FB1] =	sst s3  }
0xc: {  	[smem:$0x3FB2] =	sst s4  }
0xd: {  	[smem:$0x3FB3] =	sst s5  }
0xe: {  	[smem:$0x3FB4] =	sst s6  }
0xf: {  	[smem:$0x3FB5] =	sst s7  }
0x10: {  	[smem:$0x3FB6] =	sst s8  }
0x11: {  	[smem:$0x3FB7] =	sst s9;
	s0 =	simm.s32 @!p0 $0x0  }
0x12: {  	s1 =	sld [smem:$0x3F9D];
	s0 =	simm.s32 @p0 $0x1  }
0x13: {  	[smem:$0x3FB8] =	sst s0;
	s0 =	simm.s32 @!p1 $0x0  }
0x14: {  	s2 =	sld [smem:$0x3F9C];
	s0 =	simm.s32 @p1 $0x1  }
0x15: {  	[smem:$0x3FB9] =	sst s0;
	s0 =	simm.s32 @!p2 $0x0  }
0x16: {  	s3 =	sld [smem:$0x3FDB];
	s0 =	simm.s32 @p2 $0x1  }
0x17: {  	s4 =	simm.s32 $0x1BF5;
	[smem:$0x3FBB] =	sst s0  }
0x18: {  	s0 =	sld [smem:$0x3F9E];
	_ =	swait.ge [sflag:s4], $0x0  }
0x19: {  	s7 =	sld [smem:$0x3F9F]  }
0x1a: {  	s8 =	sadd.s32 $0xFFFFE003, lr  }
0x1b: {  	s9 =	sadd.s32 $0xFFFFFEF7, lr;
	s5 =	simm.s32 $0xFFFFFFFF;
	p2 =	slt.u32 s8, $0xFFFFF086  }
0x1c: {  	p1 =	slt.u32 s9, $0xF7A;
	s5 =	simm.s32 @!p2 $0x0  }
0x1d: {  	s5 =	simm.s32 @p1 $0x1;
	p0 =	seq.s32 s7, s2  }
0x1e: {  	s7 =	smul.u32 @!p0 $0xF7A, s2;
	p2 =	seq.s32 @!p0 s5, $0x0  }
0x1f: {  	s9 =	smul.u32 $0xF7A, s1;
	s8 =	simm.s32 @!p0 $0x1BF5;
	p2 =	por !p2, p0  }
0x20: {  	[sflag:s8] =	ssyncset.s32 @!p0 $0xFFFFF086;
	s6 =	sadd.s32 @!p0 s3, s7;
	s7 =	simm.s32 @!p0 $0x108  }
0x21: {  	s3 =	sadd.s32 s3, s9;
	s6 =	sadd.s32 @!p0 $0x88, s6;
	s7 =	simm.s32 @p2 $0x1082  }
0x22: {  	[simem:s7], [sflag:s8] =	dma.local @!p0 [hbm:s6], $0xF7A  }
0x23: {  	s9 =	sor.u32 $0xD0000000, s2;
	s6 =	simm.s32 $0x108;
	_ =	swait.ge @!p0 [sflag:s8], $0x0  }
0x24: {  	s3 =	sadd.s32 $0x88, s3;
	s6 =	simm.s32 @!p1 $0x1082;
	[sflag:s4] =	ssyncset.s32 $0xFFFFF086  }
0x25: {  	[simem:s6], [sflag:s4] =	dma.local [hbm:s3], $0xF7A  }
0x26: {  	[smem:$0x3F9F] =	sst s1;
	(tag) =	ssettag s2;
	_ =	strace s9  }
0x27: {  	s1 =	sld [smem:$0x3FAF]  }
0x28: {  	s2 =	sld [smem:$0x3FB0]  }
0x29: {  	s4 =	sld [smem:$0x3FB2]  }
0x2a: {  	p0 =	seq.s32 s5, $0x0;
	s5 =	sld [smem:$0x3FB3]  }
0x2b: {  	s6 =	sld [smem:$0x3FB4]  }
0x2c: {  	s7 =	sld [smem:$0x3FB5]  }
0x2d: {  	s3 =	simm.s32 $0x108;
	s8 =	sld [smem:$0x3FB6]  }
0x2e: {  	s3 =	simm.s32 @!p0 $0x1082;
	s9 =	sld [smem:$0x3FB7]  }
0x2f: {  	lr =	sadd.s32 s0, s3;
	s0 =	sld [smem:$0x3FAE]  }
0x30: {  	s3 =	sld [smem:$0x3FB1]  }
0x31: {  	[smem:$0x3FBA] =	sst s10  }
0x32: {  	s10 =	sld [smem:$0x3FB8];
	_ =	sdelay $0x3  }
0x33: {  	p0 =	seq.s32 s10, $0x1;
	s10 =	sld [smem:$0x3FBA];
	_ =	sdelay $0x3  }
0x34: {  	[smem:$0x3FBA] =	sst s10  }
0x35: {  	s10 =	sld [smem:$0x3FB9];
	_ =	sdelay $0x3  }
0x36: {  	p1 =	seq.s32 s10, $0x1;
	s10 =	sld [smem:$0x3FBA];
	_ =	sdelay $0x3  }
0x37: {  	[smem:$0x3FBA] =	sst s10  }
0x38: {  	s10 =	sld [smem:$0x3FBB]  }
0x39: {  	_ = 	snop;
	(pc) =	sbr.ind lr, $3  }
0x3a: {  	_ = 	snop  }
0x3b: {  	_ = 	snop  }
0x3c: {  	p2 =	seq.s32 s10, $0x1;
	s10 =	sld [smem:$0x3FBA]  }
0x3d: {  	_ =	shalt  }
0x3e: {  	_ =	shalt  }
0x3f: {  	_ =	shalt  }
0x40: {  	_ =	shalt  }
0x41: {  	_ =	shalt  }
0x42: {  	_ =	shalt  }
0x43: {  	_ =	shalt  }
0x44: {  	_ =	shalt  }
0x45: {  	_ =	shalt  }
0x46: {  	_ =	shalt  }
0x47: {  	_ =	shalt  }
0x48: {  	_ =	shalt  }
0x49: {  	_ =	shalt  }
0x4a: {  	_ =	shalt  }
0x4b: {  	_ =	shalt  }
0x4c: {  	_ =	shalt  }
0x4d: {  	_ =	shalt  }
0x4e: {  	_ =	shalt  }
0x4f: {  	_ =	shalt  }
0x50: {  	_ =	shalt  }
0x51: {  	_ =	shalt  }
0x52: {  	_ =	shalt  }
0x53: {  	_ =	shalt  }
0x54: {  	_ =	shalt  }
0x55: {  	_ =	shalt  }
0x56: {  	_ =	shalt  }
0x57: {  	_ =	shalt  }
0x58: {  	_ =	shalt  }
0x59: {  	_ =	shalt  }
0x5a: {  	_ =	shalt  }
0x5b: {  	_ =	shalt  }
0x5c: {  	_ =	shalt  }
0x5d: {  	_ =	shalt  }
0x5e: {  	_ =	shalt  }
0x5f: {  	_ =	shalt  }
0x60: {  	_ =	shalt  }
0x61: {  	_ =	shalt  }
0x62: {  	_ =	shalt  }
0x63: {  	_ =	shalt  }
0x64: {  	_ =	shalt  }
0x65: {  	_ =	shalt  }
0x66: {  	_ =	shalt  }
0x67: {  	_ =	shalt  }
0x68: {  	_ =	shalt  }
0x69: {  	_ =	shalt  }
0x6a: {  	_ =	shalt  }
0x6b: {  	_ =	shalt  }
0x6c: {  	_ =	shalt  }
0x6d: {  	_ =	shalt  }
0x6e: {  	_ =	shalt  }
0x6f: {  	_ =	shalt  }
0x70: {  	_ =	shalt  }
0x71: {  	_ =	shalt  }
0x72: {  	_ =	shalt  }
0x73: {  	_ =	shalt  }
0x74: {  	_ =	shalt  }
0x75: {  	_ =	shalt  }
0x76: {  	_ =	shalt  }
0x77: {  	_ =	shalt  }
0x78: {  	_ =	shalt  }
0x79: {  	_ =	shalt  }
0x7a: {  	_ =	shalt  }
0x7b: {  	_ =	shalt  }
0x7c: {  	_ =	shalt  }
0x7d: {  	_ =	shalt  }
0x7e: {  	_ =	shalt  }
0x7f: {  	_ =	shalt  }
0x80: {  	_ =	shalt  }
0x81: {  	_ =	shalt  }
0x82: {  	_ =	shalt  }
0x83: {  	_ =	shalt  }
0x84: {  	_ =	shalt  }
0x85: {  	_ =	shalt  }
0x86: {  	_ =	shalt  }
0x87: {  	_ =	shalt  }
.Lfunc_end0:
.L_simem_size_0:
called_computation_lowered:
.L_overlay_start_0:
0x88: {  	s0 =	sld [smem:$0x3FD9]  }
0x89: {  	s1 =	sld [smem:$0x3FFE];
	_ =	sdelay $0x3  }
0x8a: {  	s0 =	sadd.s32 s1, s0  }
0x8b: {  	[smem:$0x3FC6] =	sst s0  }
0x8c: {  	_ = 	snop  }
0x8d: {  	s0 =	sld [smem:$0x3FD0];
	_ =	sdelay $0x2  }
0x8e: {  	s13 =	simm.s32 $0xA;
	s2 =	simm.s32 $0x10  }
0x8f: {  	[smem:s2], [sflag:s13] =	dma.local [hbm:s0], $0x1  }
0x90: {  	_ =	swait.eq [sflag:s13], $0x1  }
0x91: {  	[sflag:s13] =	ssyncset.done $0x0  }
0x92: {  	[sflag:s13] =	ssyncadd.s32 $0xFFFFFFFF  }
0x93: {  	s14 =	sld [smem:$0x11];
	(tm) =	ssettm $0x1  }
0x94: {  	s15 =	sld [smem:$0x3FFB];
	_ =	sdelay $0x3  }
0x95: {  	_ =	strace s15  }
0x96: {  	s1 =	sld [smem:$0x3FFC];
	_ =	sdelay $0x3  }
0x97: {  	_ =	strace s1  }
0x98: {  	s1 =	sld [smem:$0x3FFD];
	_ =	sdelay $0x3  }
0x99: {  	_ =	strace s1  }
0x9a: {  	_ =	strace $0x8FFFFFFF  }
0x9b: {  	s16 =	sld [smem:$0x3FDB];
	_ =	sdelay $0x1  }
0x9c: {  	s17 =	simm.s32 $_scs_section_size  }
0x9d: {  	s3 =	simm.s32 $_size__tile_overlayer_lowered;
	s4 =	simm.s32 $_tile_overlayer_lowered  }
0x9e: {  	s20 =	simm.s32 $0x1BFF;
	s19 =	sshll.u32 s4, $0x1;
	s1 =	sadd.s32 s17, s16  }
0x9f: {  	s5 =	simm.s32 $0x0;
	s18 =	sshll.u32 s3, $0x1;
	s3 =	sadd.s32 s19, s1  }
0xa0: {  	[timem:s5], [sflag:s20] =	dma.local [hbm:s3], s18  }
0xa1: {  	_ =	swait.ge [sflag:s20], s18  }
0xa2: {  	s2 =	ssub.s32 $0x0, s18;
	[sflag:s20] =	ssyncset.done $0x0  }
0xa3: {  	[sflag:s20] =	ssyncadd.s32 s2;
	_ =	sdelay $0x1  }
0xa4: {  	s21 =	simm.s32 $0x1B8B  }
0xa5: {  	_ =	swait.ge [sflag:s21], $0x1  }
0xa6: {  	[sflag:s21] =	ssyncset.done $0x0  }
0xa7: {  	s23 =	simm.s32 $0x1B8E;
	s22 =	sld [smem:$0x3FFE];
	[sflag:s21] =	ssyncadd.s32 $0xFFFFFFFF  }
0xa8: {  	s24 =	simm.s32 $execute0_lowered;
	[smem:$0x3FD2] =	sst s23  }
0xa9: {  	s3 =	sshll.u32 s24, $0x1;
	_ =	strace $0x80000046;
	[dreg:$0x1] =	wrdreg $0xFFFFFFFF  }
0xaa: {  	s25 =	simm.s32 $_size_execute0_lowered;
	s1 =	sadd.s32 s1, s3;
	[dreg:$0x0] =	wrdreg $0x0  }
0xab: {  	s3 =	sshll.u32 s25, $0x1;
	[dreg:$0x2] =	wrdreg s1  }
0xac: {  	[dreg:$0x3] =	wrdreg s3  }
0xad: {  	[dreg:$0x4] =	wrdreg $0xC0  }
0xae: {  	_ =	task [dreg:s5], $0x5FFFF  }
0xaf: {  	[dreg:$0x1] =	wrdreg $0xFFFFFFFF  }
0xb0: {  	[dreg:$0x0] =	wrdreg $0x60  }
0xb1: {  	[dreg:$0x2] =	wrdreg s22  }
0xb2: {  	[dreg:$0x3] =	wrdreg s14  }
0xb3: {  	[dreg:$0x4] =	wrdreg $0x9  }
0xb4: {  	_ =	task.clear_ibuf [dreg:s5], $0x5FFFF;
	_ =	strace $0x90000046  }
0xb5: {  	s26 =	simm.s32 $0x9;
	_ =	strace $0x80000048  }
0xb6: {  	_ =	swait.ge [sflag:s26], $0x1  }
0xb7: {  	[sflag:s26] =	ssyncadd.s32 $0xFFFFFFFF  }
0xb8: {  	_ =	strace $0x90000048  }
0xb9: {  	_ =	sfence  }
0xba: {  	s28 =	sld [smem:$0x0];
	_ =	sdelay $0x1  }
0xbb: {  	s29 =	srdreg.scid  }
0xbc: {  	s30 =	sshll.u32 s29, $0xD;
	s31 =	sshrl.u32 s29, $0x2  }
0xbd: {  	s2 =	sand.u32 $0x4000, s30;
	s1 =	sand.u32 $0x1, s29;
	s0 =	sadd.s32 s31, s28  }
0xbe: {  	s1 =	sor.u32 s2, s1;
	s0 =	sshll.u32 s0, $0x11  }
0xbf: {  	s0 =	sor.u32 s0, s1  }
0xc0: {  	s0 =	sadd.s32 $0x8F2B, s0  }
0xc1: {  	[sflag:s0] =	ssyncadd.remote.s32 $0x1  }
0xc2: {  	_ =	sfence.sel $0xFFFF  }
0xc3: {  	[dreg:$0x0] =	wrdreg $0xFFFFFFFF;
	(pc) =	sbr.abs _section_cstart, $3  }
0xc4: {  	[dreg:$0x1] =	wrdreg $0xFFFFFFFF  }
0xc5: {  	_ =	task.clear_ibuf [dreg:s5], $0x2FFFF;
	_ =	strace $0x9FFFFFFF  }
0xc6: {  	(tm) =	ssettm $0x7FFFFFFF  }
0xc7: {  	_ =	shalt  }
tec
execute0_lowered:
.L_overlay_start_1:
0x0: {  	(tag) =	ssettag $0x1  }
0x1: {  	s0 =	rddreg [dreg:$0x0]  }
0x2: {  	s1 =	rddreg [dreg:$0x1]  }
0x3: {  	s2 =	rddreg [dreg:$0x2];
	s3 =	simm.s32 $0x0;
	s4 =	stileid.u32  }
0x4: {  	[smem:$0x7FF] =	sst s3;
	s5 =	sshll.u32 s4, $0x5  }
0x5: {  	s29 =	simm.s32 $0x2;
	_ =	strace $0x80000047;
	s1 =	sadd.s32 s1, s5  }
0x6: {  	[tilespmem:s3], [sflag:$0x2] =	stream.linear.gather [hbm4b:s1+s3], $0x100, $0x38;
	[tilespmem:$0x8100] =	vst v63  }
0x7: {  	_ =	swait.ge [sflag:s29], $0x100  }
0x8: {  	s6 =	simm.s32 $0x100;
	[sflag:s29] =	ssyncset.done $0x0  }
0x9: {  	s31 =	simm.s32 $0x1;
	s30 =	sadd.s32 $0x600, s0;
	[sflag:s29] =	ssyncadd.s32 $0xFFFFFF00  }
0xa: {  	[tilespmem:s6], [sflag:$0x1] =	stream.indirect.gather [hbm4b:s30+s6], $0x80, s3, s6, $0xb8;
	[tilespmem:$0x8100] =	vst v63  }
0xb: {  	s7 =	sshll.u32 s4, $0xC;
	_ =	swait.ge [sflag:s31], $0x8000  }
0xc: {  	s0 =	sadd.s32 s7, s0;
	[sflag:s31] =	ssyncset.done $0x0  }
0xd: {  	s0 =	sadd.s32 $0x20600, s0;
	[sflag:s31] =	ssyncadd.s32 $0xFFFF8000  }
0xe: {  	[hbm4b:s0+s3] =	stream.linear.scatter [tilespmem:s6], [sflag:$0x2], $0x8000, $0x38;
	[tilespmem:$0x8100] =	vst v63  }
0xf: {  	_ =	swait.ge [sflag:s29], $0x8000  }
0x10: {  	[sflag:s29] =	ssyncset.done $0x0  }
0x11: {  	[sflag:s29] =	ssyncadd.s32 $0xFFFF8000  }
0x12: {  	_ =	sfence.sel $0x180000  }
0x13: {  	[bflag:$0x0] =	sbarrier.arrive $0xFFFF  }
0x14: {  	p0 =	sne.s32 s4, $0x0;
	_ =	strace $0x90000047  }
0x15: {  	s0 =	sadd.s32 @!p0 $0x100000, s2;
	[bflag:$0x2] =	sbarrier.arrive $0xFFFF  }
0x16: {  	[sflag:s0] =	ssyncadd.tile.s32 @!p0 $0x1;
	_ =	shalt  }
.Lfunc_end2:
_tile_overlayer_lowered:
.L_overlay_start_2:
0x17: {  	(tag) =	ssettag $0x2  }
0x18: {  	s0 =	rddreg [dreg:$0x0];
	s2 =	stileid.u32  }
0x19: {  	s1 =	rddreg [dreg:$0x1];
	p0 =	sne.s32 s2, $0x0  }
0x1a: {  	s3 =	rddreg [dreg:$0x2];
	[bflag:$0x3] =	sbarrier.arrive $0xFFFF;
	s2 =	simm.s32 @!p0 $0x1C02  }
0x1b: {  	[timem:s3], [sflag:s2] =	dma.local @!p0 [hbm:s0], s1  }
0x1c: {  	s0 =	simm.s32 @!p0 $0x2  }
0x1d: {  	_ =	swait.ge @!p0 [sflag:s0], s1  }
0x1e: {  	s1 =	ssub.s32 @!p0 $0x0, s1;
	[sflag:s0] =	ssyncset.done @!p0 $0x0  }
0x1f: {  	[sflag:s0] =	ssyncadd.s32 @!p0 s1  }
0x20: {  	[bflag:$0x3] =	sbarrier.arrive $0xFFFF  }
0x21: {  	_ =	shalt  }

</sc_bundles>
